<compile_context>
chip_gen: v7x
topology: tpu7x:2x2x1
jax: 0.10.2.dev20260603
libtpu: 0.0.44.dev20260713+nightly
codegen_flags: <defaults>
</compile_context>

<pallas_src>
import functools

import jax
import jax.numpy as jnp
from jax.experimental import pallas as pl

_NUM_HARD = 2
_LANES = 128


def _scan_kernel(o_ref, l_ref, stats_ref, cand_ref, *, k):
    i = pl.program_id(0)
    o = o_ref[...]
    l = l_ref[...]
    rsub = o.shape[1]

    cls = l[0]
    s0 = o[0]
    pos = cls > 0.5
    neg = cls < -0.5

    parts = [jnp.sum(jnp.where(pos, 1.0, 0.0), axis=0, keepdims=True)]
    for c in range(1, 5):
        d = o[c] - l[c]
        ad = jnp.abs(d)
        e = jnp.where(ad < 1.0, 0.5 * d * d, ad - 0.5)
        parts.append(jnp.sum(jnp.where(pos, e, 0.0), axis=0, keepdims=True))

    eps = 1e-12
    p = jnp.clip(jax.nn.sigmoid(s0), eps, 1.0 - eps)
    bce = -(cls * jnp.log(p) + (1.0 - cls) * jnp.log(1.0 - p))
    parts.append(jnp.sum(jnp.where(pos, bce, 0.0), axis=0, keepdims=True))
    parts.append(
        jnp.sum(jnp.where(pos & (p >= 0.5), 1.0, 0.0), axis=0, keepdims=True)
    )
    parts.append(jnp.zeros((1, _LANES), jnp.float32))
    pstack = jnp.concatenate(parts, axis=0)

    @pl.when(i == 0)
    def _():
        stats_ref[...] = pstack

    @pl.when(i > 0)
    def _():
        stats_ref[...] = stats_ref[...] + pstack

    scores = jnp.where(neg, s0, -jnp.inf)
    ridx = jax.lax.broadcasted_iota(jnp.int32, (rsub, _LANES), 0)
    lidx = jax.lax.broadcasted_iota(jnp.int32, (rsub, _LANES), 1)
    idx2 = ridx * _LANES + lidx
    lane_k = jax.lax.broadcasted_iota(jnp.int32, (1, _LANES), 1)

    def body(j, carry):
        sc, cand = carry
        m = jnp.max(sc)
        sel = jnp.min(jnp.where(sc == m, idx2, jnp.int32(2**30)))
        sc = jnp.where(idx2 == sel, -jnp.inf, sc)
        cand = jnp.where(lane_k == j, m, cand)
        return sc, cand

    _, cand = jax.lax.fori_loop(
        0, k, body, (scores, jnp.full((1, _LANES), -jnp.inf, jnp.float32))
    )
    cand_ref[...] = jnp.concatenate(
        [cand, jnp.full((7, _LANES), -jnp.inf, jnp.float32)], axis=0
    )


def _final_kernel(stats_ref, cand_ref, out_ref, *, k):
    stats = stats_ref[...]
    cand = cand_ref[...]
    t = cand.shape[0]

    pos_count = jnp.sum(stats[0:1, :])
    sl = [jnp.sum(stats[c : c + 1, :]) for c in range(1, 5)]
    bce_pos = jnp.sum(stats[5:6, :])
    pos_correct = jnp.sum(stats[6:7, :])

    ridx = jax.lax.broadcasted_iota(jnp.int32, (t, _LANES), 0)
    lidx = jax.lax.broadcasted_iota(jnp.int32, (t, _LANES), 1)
    idx2 = ridx * _LANES + lidx
    eps = 1e-12

    def body(j, carry):
        sc, bce_acc, negc_acc = carry
        m = jnp.max(sc)
        sel = jnp.min(jnp.where(sc == m, idx2, jnp.int32(2**30)))
        sc = jnp.where(idx2 == sel, -jnp.inf, sc)
        p = jnp.clip(jax.nn.sigmoid(m), eps, 1.0 - eps)
        bce_acc = bce_acc - jnp.log(1.0 - p)
        negc_acc = negc_acc + jnp.where(p < 0.5, 1.0, 0.0)
        return sc, bce_acc, negc_acc

    _, bce_neg, neg_correct = jax.lax.fori_loop(
        0, k, body, (cand, jnp.float32(0.0), jnp.float32(0.0))
    )

    classify = 0.5 * bce_pos / pos_count + 0.5 * bce_neg / jnp.float32(k)
    rl = [s / pos_count for s in sl]
    loss = classify + rl[0] + rl[1] + rl[2] + rl[3]

    vals = [loss, classify, rl[0], rl[1], rl[2], rl[3], pos_correct,
            pos_count, neg_correct]
    lane = jax.lax.broadcasted_iota(jnp.int32, (1, _LANES), 1)
    out = jnp.zeros((1, _LANES), jnp.float32)
    for idx, v in enumerate(vals):
        out = jnp.where(lane == idx, v, out)
    out_ref[...] = out


@jax.jit
def kernel(output, labels):
    batch = labels.shape[0]
    k = _NUM_HARD * batch
    r = output.shape[0] * output.shape[1]
    rows128 = r // _LANES

    o3 = output.reshape(-1, 5).T.reshape(5, rows128, _LANES)
    l3 = labels.reshape(-1, 5).T.reshape(5, rows128, _LANES)

    tile_rsub = 512
    num_tiles = rows128 // tile_rsub

    stats, cand = pl.pallas_call(
        functools.partial(_scan_kernel, k=k),
        grid=(num_tiles,),
        in_specs=[
            pl.BlockSpec((5, tile_rsub, _LANES), lambda i: (0, i, 0)),
            pl.BlockSpec((5, tile_rsub, _LANES), lambda i: (0, i, 0)),
        ],
        out_specs=[
            pl.BlockSpec((8, _LANES), lambda i: (0, 0)),
            pl.BlockSpec((8, _LANES), lambda i: (i, 0)),
        ],
        out_shape=[
            jax.ShapeDtypeStruct((8, _LANES), jnp.float32),
            jax.ShapeDtypeStruct((num_tiles * 8, _LANES), jnp.float32),
        ],
    )(o3, l3)

    res = pl.pallas_call(
        functools.partial(_final_kernel, k=k),
        out_shape=jax.ShapeDtypeStruct((1, _LANES), jnp.float32),
    )(stats, cand)[0]

    return (
        res[0],
        res[1],
        res[2],
        res[3],
        res[4],
        res[5],
        res[6].astype(jnp.int32),
        res[7].astype(jnp.int32),
        res[8].astype(jnp.int32),
        jnp.asarray(k, dtype=jnp.int32),
    )

# --- scband reference (transcript-rebuilt; emitter-appended) ---
"""Pipeline reference for scband-loss-2207613190200 (READ-ONLY COPY).

The authoritative reference and input builder live on the scoring server;
editing this copy changes nothing except your own understanding.
"""

import jax, jax.numpy as jnp
import numpy as np

NUM_HARD = 2


def setup_inputs(seed: int = 0) -> dict:
    key = jax.random.key(seed)
    k1, k2, k3 = jax.random.split(key, 3)
    B, N = 32, 98304
    output = jax.random.normal(k1, (B, N, 5), dtype=jnp.float32)
    reg = jax.random.normal(k2, (B, N, 4), dtype=jnp.float32)
    cls = jax.random.choice(
        k3,
        jnp.array([-1.0, 0.0, 1.0], dtype=jnp.float32),
        shape=(B, N, 1),
        p=jnp.array([0.70, 0.295, 0.005]),
    )
    labels = jnp.concatenate([cls, reg], axis=-1)
    return {"output": output, "labels": labels}


def _smooth_l1(pred, target, mask, count):
    d = pred - target
    ad = jnp.abs(d)
    e = jnp.where(ad < 1.0, 0.5 * d * d, ad - 0.5)
    return jnp.sum(jnp.where(mask, e, 0.0)) / count


def _bce(prob, target):
    eps = 1e-12
    p = jnp.clip(prob, eps, 1.0 - eps)
    return jnp.mean(-(target * jnp.log(p) + (1.0 - target) * jnp.log(1.0 - p)))


def _bce_masked(prob, target, mask, count):
    eps = 1e-12
    p = jnp.clip(prob, eps, 1.0 - eps)
    e = -(target * jnp.log(p) + (1.0 - target) * jnp.log(1.0 - p))
    return jnp.sum(jnp.where(mask, e, 0.0)) / count


def reference(output, labels):
    batch_size = labels.shape[0]
    out = output.reshape(-1, 5)
    lab = labels.reshape(-1, 5)

    pos_mask = lab[:, 0] > 0.5
    neg_mask = lab[:, 0] < -0.5

    n_pos = jnp.sum(pos_mask)
    pos_count = n_pos.astype(jnp.float32)

    if NUM_HARD > 0:
        k = NUM_HARD * batch_size
        neg_scores = jnp.where(neg_mask, out[:, 0], -jnp.inf)
        neg_output, idcs = jax.lax.top_k(neg_scores, k)
        neg_labels = lab[:, 0][idcs]

    neg_prob = jax.nn.sigmoid(neg_output)

    n_neg = k

    pos_prob = jax.nn.sigmoid(out[:, 0])
    pz, ph, pw, pd = out[:, 1], out[:, 2], out[:, 3], out[:, 4]
    lz, lh, lw, ld = lab[:, 1], lab[:, 2], lab[:, 3], lab[:, 4]
    regress_losses = [
        _smooth_l1(pz, lz, pos_mask, pos_count),
        _smooth_l1(ph, lh, pos_mask, pos_count),
        _smooth_l1(pw, lw, pos_mask, pos_count),
        _smooth_l1(pd, ld, pos_mask, pos_count),
    ]
    classify_loss = 0.5 * _bce_masked(pos_prob, lab[:, 0], pos_mask, pos_count) + 0.5 * _bce(neg_prob, neg_labels + 1.0)

    pos_correct = jnp.sum(pos_mask & (pos_prob >= 0.5))
    neg_correct = jnp.sum(neg_prob < 0.5)

    loss = classify_loss
    for rl in regress_losses:
        loss = loss + rl

    return (
        loss,
        classify_loss,
        regress_losses[0],
        regress_losses[1],
        regress_losses[2],
        regress_losses[3],
        pos_correct,
        jnp.asarray(n_pos),
        neg_correct,
        jnp.asarray(n_neg),
    )

if __name__ == "__main__":
    import jax
    _d = setup_inputs()
    print(jax.jit(kernel)(*tuple(_d.values())))

</pallas_src>

<mosaic_0001>
module attributes {stable_mosaic.version = 14 : i64} {
  func.func @_final_kernel(%arg0: memref<8x128xf32, #tpu.memory_space<vmem>>, %arg1: memref<384x128xf32, #tpu.memory_space<vmem>>, %arg2: memref<1x128xf32, #tpu.memory_space<vmem>>) attributes {dimension_semantics = [], scalar_prefetch = 0 : i64, scratch_operands = 0 : i64, tpu.core_type = #tpu.core_type<tc>} {
    %get3A = arith.constant 0 : index
    %get3A_0 = arith.constant 0 : index
    %get3A_1 = vector.load %arg0[%get3A, %get3A_0] : memref<8x128xf32, #tpu.memory_space<vmem>>, vector<8x128xf32>
    %get3A_2 = arith.constant 0 : index
    %get3A_3 = arith.constant 0 : index
    %get3A_4 = vector.load %arg1[%get3A_2, %get3A_3] : memref<384x128xf32, #tpu.memory_space<vmem>>, vector<384x128xf32>
    %slice3A = vector.extract_strided_slice %get3A_1 {offsets = [0, 0], sizes = [1, 128], strides = [1, 1]} : vector<8x128xf32> to vector<1x128xf32>
    %reduce_sum3A = vector.shape_cast %slice3A : vector<1x128xf32> to vector<1x1x128xf32>
    %reduce_sum3A_5 = arith.constant dense<0.000000e+00> : vector<1xf32>
    %reduce_sum3A_6 = vector.multi_reduction <add>, %reduce_sum3A, %reduce_sum3A_5 [1, 2] : vector<1x1x128xf32> to vector<1xf32>
    %reduce_sum3A_7 = vector.shape_cast %reduce_sum3A_6 : vector<1xf32> to vector<1x1x1xf32>
    %reduce_sum3A_8 = vector.extract %reduce_sum3A_7[0, 0, 0] : f32 from vector<1x1x1xf32>
    %slice3A_9 = vector.extract_strided_slice %get3A_1 {offsets = [1, 0], sizes = [1, 128], strides = [1, 1]} : vector<8x128xf32> to vector<1x128xf32>
    %reduce_sum3A_10 = vector.shape_cast %slice3A_9 : vector<1x128xf32> to vector<1x1x128xf32>
    %reduce_sum3A_11 = arith.constant dense<0.000000e+00> : vector<1xf32>
    %reduce_sum3A_12 = vector.multi_reduction <add>, %reduce_sum3A_10, %reduce_sum3A_11 [1, 2] : vector<1x1x128xf32> to vector<1xf32>
    %reduce_sum3A_13 = vector.shape_cast %reduce_sum3A_12 : vector<1xf32> to vector<1x1x1xf32>
    %reduce_sum3A_14 = vector.extract %reduce_sum3A_13[0, 0, 0] : f32 from vector<1x1x1xf32>
    %slice3A_15 = vector.extract_strided_slice %get3A_1 {offsets = [2, 0], sizes = [1, 128], strides = [1, 1]} : vector<8x128xf32> to vector<1x128xf32>
    %reduce_sum3A_16 = vector.shape_cast %slice3A_15 : vector<1x128xf32> to vector<1x1x128xf32>
    %reduce_sum3A_17 = arith.constant dense<0.000000e+00> : vector<1xf32>
    %reduce_sum3A_18 = vector.multi_reduction <add>, %reduce_sum3A_16, %reduce_sum3A_17 [1, 2] : vector<1x1x128xf32> to vector<1xf32>
    %reduce_sum3A_19 = vector.shape_cast %reduce_sum3A_18 : vector<1xf32> to vector<1x1x1xf32>
    %reduce_sum3A_20 = vector.extract %reduce_sum3A_19[0, 0, 0] : f32 from vector<1x1x1xf32>
    %slice3A_21 = vector.extract_strided_slice %get3A_1 {offsets = [3, 0], sizes = [1, 128], strides = [1, 1]} : vector<8x128xf32> to vector<1x128xf32>
    %reduce_sum3A_22 = vector.shape_cast %slice3A_21 : vector<1x128xf32> to vector<1x1x128xf32>
    %reduce_sum3A_23 = arith.constant dense<0.000000e+00> : vector<1xf32>
    %reduce_sum3A_24 = vector.multi_reduction <add>, %reduce_sum3A_22, %reduce_sum3A_23 [1, 2] : vector<1x1x128xf32> to vector<1xf32>
    %reduce_sum3A_25 = vector.shape_cast %reduce_sum3A_24 : vector<1xf32> to vector<1x1x1xf32>
    %reduce_sum3A_26 = vector.extract %reduce_sum3A_25[0, 0, 0] : f32 from vector<1x1x1xf32>
    %slice3A_27 = vector.extract_strided_slice %get3A_1 {offsets = [4, 0], sizes = [1, 128], strides = [1, 1]} : vector<8x128xf32> to vector<1x128xf32>
    %reduce_sum3A_28 = vector.shape_cast %slice3A_27 : vector<1x128xf32> to vector<1x1x128xf32>
    %reduce_sum3A_29 = arith.constant dense<0.000000e+00> : vector<1xf32>
    %reduce_sum3A_30 = vector.multi_reduction <add>, %reduce_sum3A_28, %reduce_sum3A_29 [1, 2] : vector<1x1x128xf32> to vector<1xf32>
    %reduce_sum3A_31 = vector.shape_cast %reduce_sum3A_30 : vector<1xf32> to vector<1x1x1xf32>
    %reduce_sum3A_32 = vector.extract %reduce_sum3A_31[0, 0, 0] : f32 from vector<1x1x1xf32>
    %slice3A_33 = vector.extract_strided_slice %get3A_1 {offsets = [5, 0], sizes = [1, 128], strides = [1, 1]} : vector<8x128xf32> to vector<1x128xf32>
    %reduce_sum3A_34 = vector.shape_cast %slice3A_33 : vector<1x128xf32> to vector<1x1x128xf32>
    %reduce_sum3A_35 = arith.constant dense<0.000000e+00> : vector<1xf32>
    %reduce_sum3A_36 = vector.multi_reduction <add>, %reduce_sum3A_34, %reduce_sum3A_35 [1, 2] : vector<1x1x128xf32> to vector<1xf32>
    %reduce_sum3A_37 = vector.shape_cast %reduce_sum3A_36 : vector<1xf32> to vector<1x1x1xf32>
    %reduce_sum3A_38 = vector.extract %reduce_sum3A_37[0, 0, 0] : f32 from vector<1x1x1xf32>
    %slice3A_39 = vector.extract_strided_slice %get3A_1 {offsets = [6, 0], sizes = [1, 128], strides = [1, 1]} : vector<8x128xf32> to vector<1x128xf32>
    %reduce_sum3A_40 = vector.shape_cast %slice3A_39 : vector<1x128xf32> to vector<1x1x128xf32>
    %reduce_sum3A_41 = arith.constant dense<0.000000e+00> : vector<1xf32>
    %reduce_sum3A_42 = vector.multi_reduction <add>, %reduce_sum3A_40, %reduce_sum3A_41 [1, 2] : vector<1x1x128xf32> to vector<1xf32>
    %reduce_sum3A_43 = vector.shape_cast %reduce_sum3A_42 : vector<1xf32> to vector<1x1x1xf32>
    %reduce_sum3A_44 = vector.extract %reduce_sum3A_43[0, 0, 0] : f32 from vector<1x1x1xf32>
    %iota3A = tpu.iota {dimensions = array<i32: 0>} : vector<384x128xi32>
    %iota3A_45 = tpu.iota {dimensions = array<i32: 1>} : vector<384x128xi32>
    %mul3A = arith.constant 128 : i32
    %mul3A_46 = vector.broadcast %mul3A : i32 to vector<384x128xi32>
    %mul3A_47 = arith.muli %iota3A, %mul3A_46 : vector<384x128xi32>
    %add3A = arith.addi %mul3A_47, %iota3A_45 : vector<384x128xi32>
    %scan3A = arith.constant 0.000000e+00 : f32
    %scan3A_48 = arith.constant 0.000000e+00 : f32
    %scan3A_49 = arith.constant 0 : i32
    %scan3A_50 = arith.constant 64 : i32
    %scan3A_51 = arith.addi %scan3A_49, %scan3A_50 : i32
    %scan3A_52 = arith.constant 1 : i32
    %scan3A_53:3 = scf.for %scan3A_116 = %scan3A_49 to %scan3A_51 step %scan3A_52 iter_args(%scan3A_117 = %get3A_4, %scan3A_118 = %scan3A, %scan3A_119 = %scan3A_48) -> (vector<384x128xf32>, f32, f32)  : i32 {
      %reduce_max3A = vector.shape_cast %scan3A_117 : vector<384x128xf32> to vector<1x384x128xf32>
      %reduce_max3A_120 = arith.constant dense<0xFF800000> : vector<1xf32>
      %reduce_max3A_121 = vector.multi_reduction <maximumf>, %reduce_max3A, %reduce_max3A_120 [1, 2] : vector<1x384x128xf32> to vector<1xf32>
      %reduce_max3A_122 = vector.shape_cast %reduce_max3A_121 : vector<1xf32> to vector<1x1x1xf32>
      %reduce_max3A_123 = vector.extract %reduce_max3A_122[0, 0, 0] : f32 from vector<1x1x1xf32>
      %eq3A_124 = vector.broadcast %reduce_max3A_123 : f32 to vector<384x128xf32>
      %eq3A_125 = arith.cmpf oeq, %scan3A_117, %eq3A_124 : vector<384x128xf32>
      %jit3A = arith.constant 1073741824 : i32
      %broadcast_in_dim3A_126 = vector.broadcast %jit3A : i32 to vector<384x128xi32>
      %select_n3A_127 = arith.select %eq3A_125, %add3A, %broadcast_in_dim3A_126 : vector<384x128xi1>, vector<384x128xi32>
      %reduce_min3A = vector.shape_cast %select_n3A_127 : vector<384x128xi32> to vector<1x384x128xi32>
      %reduce_min3A_128 = arith.constant dense<2147483647> : vector<1xi32>
      %reduce_min3A_129 = vector.multi_reduction <minsi>, %reduce_min3A, %reduce_min3A_128 [1, 2] : vector<1x384x128xi32> to vector<1xi32>
      %reduce_min3A_130 = vector.shape_cast %reduce_min3A_129 : vector<1xi32> to vector<1x1x1xi32>
      %reduce_min3A_131 = vector.extract %reduce_min3A_130[0, 0, 0] : i32 from vector<1x1x1xi32>
      %eq3A_132 = vector.broadcast %reduce_min3A_131 : i32 to vector<384x128xi32>
      %eq3A_133 = arith.cmpi eq, %add3A, %eq3A_132 : vector<384x128xi32>
      %jit3A_134 = arith.constant 0xFF800000 : f32
      %broadcast_in_dim3A_135 = vector.broadcast %jit3A_134 : f32 to vector<384x128xf32>
      %select_n3A_136 = arith.select %eq3A_133, %broadcast_in_dim3A_135, %scan3A_117 : vector<384x128xi1>, vector<384x128xf32>
      %logistic3A = arith.negf %reduce_max3A_123 : f32
      %logistic3A_137 = math.exp %logistic3A : f32
      %logistic3A_138 = arith.constant 1.000000e+00 : f32
      %logistic3A_139 = arith.addf %logistic3A_138, %logistic3A_137 : f32
      %logistic3A_140 = arith.divf %logistic3A_138, %logistic3A_139 : f32
      %jit3A_141 = arith.constant 9.99999996E-13 : f32
      %jit3A_142 = arith.constant 1.000000e+00 : f32
      %max3A = arith.maximumf %jit3A_141, %logistic3A_140 : f32
      %min3A = arith.minimumf %jit3A_142, %max3A : f32
      %sub3A = arith.constant 1.000000e+00 : f32
      %sub3A_143 = arith.subf %sub3A, %min3A : f32
      %log3A = math.log %sub3A_143 : f32
      %sub3A_144 = arith.subf %scan3A_118, %log3A : f32
      %lt3A = arith.constant 5.000000e-01 : f32
      %lt3A_145 = arith.cmpf olt, %min3A, %lt3A : f32
      %jit3A_146 = arith.constant 1.000000e+00 : f32
      %jit3A_147 = arith.constant 0.000000e+00 : f32
      %select_n3A_148 = arith.select %lt3A_145, %jit3A_146, %jit3A_147 : f32
      %add3A_149 = arith.addf %scan3A_119, %select_n3A_148 : f32
      scf.yield %select_n3A_136, %sub3A_144, %add3A_149 : vector<384x128xf32>, f32, f32
    }
    %mul3A_54 = arith.constant 5.000000e-01 : f32
    %mul3A_55 = arith.mulf %mul3A_54, %reduce_sum3A_38 : f32
    %div3A = arith.divf %mul3A_55, %reduce_sum3A_8 : f32
    %mul3A_56 = arith.constant 5.000000e-01 : f32
    %mul3A_57 = arith.mulf %mul3A_56, %scan3A_53#1 : f32
    %div3A_58 = arith.constant 6.400000e+01 : f32
    %div3A_59 = arith.divf %mul3A_57, %div3A_58 : f32
    %add3A_60 = arith.addf %div3A, %div3A_59 : f32
    %div3A_61 = arith.divf %reduce_sum3A_14, %reduce_sum3A_8 : f32
    %div3A_62 = arith.divf %reduce_sum3A_20, %reduce_sum3A_8 : f32
    %div3A_63 = arith.divf %reduce_sum3A_26, %reduce_sum3A_8 : f32
    %div3A_64 = arith.divf %reduce_sum3A_32, %reduce_sum3A_8 : f32
    %add3A_65 = arith.addf %add3A_60, %div3A_61 : f32
    %add3A_66 = arith.addf %add3A_65, %div3A_62 : f32
    %add3A_67 = arith.addf %add3A_66, %div3A_63 : f32
    %add3A_68 = arith.addf %add3A_67, %div3A_64 : f32
    %iota3A_69 = tpu.iota {dimensions = array<i32: 1>} : vector<1x128xi32>
    %broadcast_in_dim3A = arith.constant 0.000000e+00 : f32
    %broadcast_in_dim3A_70 = vector.broadcast %broadcast_in_dim3A : f32 to vector<1x128xf32>
    %eq3A = arith.constant 0 : i32
    %eq3A_71 = vector.broadcast %eq3A : i32 to vector<1x128xi32>
    %eq3A_72 = arith.cmpi eq, %iota3A_69, %eq3A_71 : vector<1x128xi32>
    %broadcast_in_dim3A_73 = vector.broadcast %add3A_68 : f32 to vector<1x128xf32>
    %select_n3A = arith.select %eq3A_72, %broadcast_in_dim3A_73, %broadcast_in_dim3A_70 : vector<1x128xi1>, vector<1x128xf32>
    %eq3A_74 = arith.constant 1 : i32
    %eq3A_75 = vector.broadcast %eq3A_74 : i32 to vector<1x128xi32>
    %eq3A_76 = arith.cmpi eq, %iota3A_69, %eq3A_75 : vector<1x128xi32>
    %broadcast_in_dim3A_77 = vector.broadcast %add3A_60 : f32 to vector<1x128xf32>
    %select_n3A_78 = arith.select %eq3A_76, %broadcast_in_dim3A_77, %select_n3A : vector<1x128xi1>, vector<1x128xf32>
    %eq3A_79 = arith.constant 2 : i32
    %eq3A_80 = vector.broadcast %eq3A_79 : i32 to vector<1x128xi32>
    %eq3A_81 = arith.cmpi eq, %iota3A_69, %eq3A_80 : vector<1x128xi32>
    %broadcast_in_dim3A_82 = vector.broadcast %div3A_61 : f32 to vector<1x128xf32>
    %select_n3A_83 = arith.select %eq3A_81, %broadcast_in_dim3A_82, %select_n3A_78 : vector<1x128xi1>, vector<1x128xf32>
    %eq3A_84 = arith.constant 3 : i32
    %eq3A_85 = vector.broadcast %eq3A_84 : i32 to vector<1x128xi32>
    %eq3A_86 = arith.cmpi eq, %iota3A_69, %eq3A_85 : vector<1x128xi32>
    %broadcast_in_dim3A_87 = vector.broadcast %div3A_62 : f32 to vector<1x128xf32>
    %select_n3A_88 = arith.select %eq3A_86, %broadcast_in_dim3A_87, %select_n3A_83 : vector<1x128xi1>, vector<1x128xf32>
    %eq3A_89 = arith.constant 4 : i32
    %eq3A_90 = vector.broadcast %eq3A_89 : i32 to vector<1x128xi32>
    %eq3A_91 = arith.cmpi eq, %iota3A_69, %eq3A_90 : vector<1x128xi32>
    %broadcast_in_dim3A_92 = vector.broadcast %div3A_63 : f32 to vector<1x128xf32>
    %select_n3A_93 = arith.select %eq3A_91, %broadcast_in_dim3A_92, %select_n3A_88 : vector<1x128xi1>, vector<1x128xf32>
    %eq3A_94 = arith.constant 5 : i32
    %eq3A_95 = vector.broadcast %eq3A_94 : i32 to vector<1x128xi32>
    %eq3A_96 = arith.cmpi eq, %iota3A_69, %eq3A_95 : vector<1x128xi32>
    %broadcast_in_dim3A_97 = vector.broadcast %div3A_64 : f32 to vector<1x128xf32>
    %select_n3A_98 = arith.select %eq3A_96, %broadcast_in_dim3A_97, %select_n3A_93 : vector<1x128xi1>, vector<1x128xf32>
    %eq3A_99 = arith.constant 6 : i32
    %eq3A_100 = vector.broadcast %eq3A_99 : i32 to vector<1x128xi32>
    %eq3A_101 = arith.cmpi eq, %iota3A_69, %eq3A_100 : vector<1x128xi32>
    %broadcast_in_dim3A_102 = vector.broadcast %reduce_sum3A_44 : f32 to vector<1x128xf32>
    %select_n3A_103 = arith.select %eq3A_101, %broadcast_in_dim3A_102, %select_n3A_98 : vector<1x128xi1>, vector<1x128xf32>
    %eq3A_104 = arith.constant 7 : i32
    %eq3A_105 = vector.broadcast %eq3A_104 : i32 to vector<1x128xi32>
    %eq3A_106 = arith.cmpi eq, %iota3A_69, %eq3A_105 : vector<1x128xi32>
    %broadcast_in_dim3A_107 = vector.broadcast %reduce_sum3A_8 : f32 to vector<1x128xf32>
    %select_n3A_108 = arith.select %eq3A_106, %broadcast_in_dim3A_107, %select_n3A_103 : vector<1x128xi1>, vector<1x128xf32>
    %eq3A_109 = arith.constant 8 : i32
    %eq3A_110 = vector.broadcast %eq3A_109 : i32 to vector<1x128xi32>
    %eq3A_111 = arith.cmpi eq, %iota3A_69, %eq3A_110 : vector<1x128xi32>
    %broadcast_in_dim3A_112 = vector.broadcast %scan3A_53#2 : f32 to vector<1x128xf32>
    %select_n3A_113 = arith.select %eq3A_111, %broadcast_in_dim3A_112, %select_n3A_108 : vector<1x128xi1>, vector<1x128xf32>
    %swap3A = arith.constant 0 : index
    %swap3A_114 = arith.constant 0 : index
    %swap3A_115 = vector.load %arg2[%swap3A, %swap3A_114] : memref<1x128xf32, #tpu.memory_space<vmem>>, vector<1x128xf32>
    tpu.vector_store %arg2[%swap3A, %swap3A_114], %select_n3A_113 {strides = array<i32>} : memref<1x128xf32, #tpu.memory_space<vmem>>, vector<1x128xf32>,
    return
  }
}

module attributes {stable_mosaic.version = 14 : i64} {
  func.func @_scan_kernel(%arg0: i32, %arg1: memref<5x512x128xf32, #tpu.memory_space<vmem>>, %arg2: memref<5x512x128xf32, #tpu.memory_space<vmem>>, %arg3: memref<8x128xf32, #tpu.memory_space<vmem>>, %arg4: memref<8x128xf32, #tpu.memory_space<vmem>>) attributes {dimension_semantics = [#tpu.dimension_semantics<arbitrary>], iteration_bounds = array<i64: 48>, scalar_prefetch = 0 : i64, scratch_operands = 0 : i64, tpu.core_type = #tpu.core_type<tc>, window_params = [{transform_indices = @transform_0, window_bounds = array<i64: 5, 512, 128>}, {transform_indices = @transform_1, window_bounds = array<i64: 5, 512, 128>}, {pipeline_mode = #tpu.pipeline_mode<synchronous>, transform_indices = @transform_2, window_bounds = array<i64: 8, 128>}, {transform_indices = @transform_3, window_bounds = array<i64: 8, 128>}]} {
    %get3A = arith.constant 0 : index
    %get3A_0 = arith.constant 0 : index
    %get3A_1 = arith.constant 0 : index
    %get3A_2 = vector.load %arg1[%get3A, %get3A_0, %get3A_1] : memref<5x512x128xf32, #tpu.memory_space<vmem>>, vector<5x512x128xf32>
    %get3A_3 = arith.constant 0 : index
    %get3A_4 = arith.constant 0 : index
    %get3A_5 = arith.constant 0 : index
    %get3A_6 = vector.load %arg2[%get3A_3, %get3A_4, %get3A_5] : memref<5x512x128xf32, #tpu.memory_space<vmem>>, vector<5x512x128xf32>
    %slice3A = vector.extract_strided_slice %get3A_6 {offsets = [0, 0, 0], sizes = [1, 512, 128], strides = [1, 1, 1]} : vector<5x512x128xf32> to vector<1x512x128xf32>
    %squeeze3A = vector.shape_cast %slice3A : vector<1x512x128xf32> to vector<512x128xf32>
    %slice3A_7 = vector.extract_strided_slice %get3A_2 {offsets = [0, 0, 0], sizes = [1, 512, 128], strides = [1, 1, 1]} : vector<5x512x128xf32> to vector<1x512x128xf32>
    %squeeze3A_8 = vector.shape_cast %slice3A_7 : vector<1x512x128xf32> to vector<512x128xf32>
    %gt3A = arith.constant 5.000000e-01 : f32
    %gt3A_9 = vector.broadcast %gt3A : f32 to vector<512x128xf32>
    %gt3A_10 = arith.cmpf ogt, %squeeze3A, %gt3A_9 : vector<512x128xf32>
    %lt3A = arith.constant -5.000000e-01 : f32
    %lt3A_11 = vector.broadcast %lt3A : f32 to vector<512x128xf32>
    %lt3A_12 = arith.cmpf olt, %squeeze3A, %lt3A_11 : vector<512x128xf32>
    %jit3A = arith.constant 1.000000e+00 : f32
    %jit3A_13 = arith.constant 0.000000e+00 : f32
    %broadcast_in_dim3A = vector.broadcast %jit3A : f32 to vector<512x128xf32>
    %broadcast_in_dim3A_14 = vector.broadcast %jit3A_13 : f32 to vector<512x128xf32>
    %select_n3A = arith.select %gt3A_10, %broadcast_in_dim3A, %broadcast_in_dim3A_14 : vector<512x128xi1>, vector<512x128xf32>
    %reduce_sum3A = arith.constant dense<0.000000e+00> : vector<128xf32>
    %reduce_sum3A_15 = vector.multi_reduction <add>, %select_n3A, %reduce_sum3A [0] : vector<512x128xf32> to vector<128xf32>
    %broadcast_in_dim3A_16 = vector.shape_cast %reduce_sum3A_15 : vector<128xf32> to vector<1x128xf32>
    %slice3A_17 = vector.extract_strided_slice %get3A_2 {offsets = [1, 0, 0], sizes = [1, 512, 128], strides = [1, 1, 1]} : vector<5x512x128xf32> to vector<1x512x128xf32>
    %squeeze3A_18 = vector.shape_cast %slice3A_17 : vector<1x512x128xf32> to vector<512x128xf32>
    %slice3A_19 = vector.extract_strided_slice %get3A_6 {offsets = [1, 0, 0], sizes = [1, 512, 128], strides = [1, 1, 1]} : vector<5x512x128xf32> to vector<1x512x128xf32>
    %squeeze3A_20 = vector.shape_cast %slice3A_19 : vector<1x512x128xf32> to vector<512x128xf32>
    %sub3A = arith.subf %squeeze3A_18, %squeeze3A_20 : vector<512x128xf32>
    %abs3A = math.absf %sub3A : vector<512x128xf32>
    %lt3A_21 = arith.constant 1.000000e+00 : f32
    %lt3A_22 = vector.broadcast %lt3A_21 : f32 to vector<512x128xf32>
    %lt3A_23 = arith.cmpf olt, %abs3A, %lt3A_22 : vector<512x128xf32>
    %mul3A = arith.constant 5.000000e-01 : f32
    %mul3A_24 = vector.broadcast %mul3A : f32 to vector<512x128xf32>
    %mul3A_25 = arith.mulf %mul3A_24, %sub3A : vector<512x128xf32>
    %mul3A_26 = arith.mulf %mul3A_25, %sub3A : vector<512x128xf32>
    %sub3A_27 = arith.constant 5.000000e-01 : f32
    %sub3A_28 = vector.broadcast %sub3A_27 : f32 to vector<512x128xf32>
    %sub3A_29 = arith.subf %abs3A, %sub3A_28 : vector<512x128xf32>
    %select_n3A_30 = arith.select %lt3A_23, %mul3A_26, %sub3A_29 : vector<512x128xi1>, vector<512x128xf32>
    %jit3A_31 = arith.constant 0.000000e+00 : f32
    %broadcast_in_dim3A_32 = vector.broadcast %jit3A_31 : f32 to vector<512x128xf32>
    %select_n3A_33 = arith.select %gt3A_10, %select_n3A_30, %broadcast_in_dim3A_32 : vector<512x128xi1>, vector<512x128xf32>
    %reduce_sum3A_34 = arith.constant dense<0.000000e+00> : vector<128xf32>
    %reduce_sum3A_35 = vector.multi_reduction <add>, %select_n3A_33, %reduce_sum3A_34 [0] : vector<512x128xf32> to vector<128xf32>
    %broadcast_in_dim3A_36 = vector.shape_cast %reduce_sum3A_35 : vector<128xf32> to vector<1x128xf32>
    %slice3A_37 = vector.extract_strided_slice %get3A_2 {offsets = [2, 0, 0], sizes = [1, 512, 128], strides = [1, 1, 1]} : vector<5x512x128xf32> to vector<1x512x128xf32>
    %squeeze3A_38 = vector.shape_cast %slice3A_37 : vector<1x512x128xf32> to vector<512x128xf32>
    %slice3A_39 = vector.extract_strided_slice %get3A_6 {offsets = [2, 0, 0], sizes = [1, 512, 128], strides = [1, 1, 1]} : vector<5x512x128xf32> to vector<1x512x128xf32>
    %squeeze3A_40 = vector.shape_cast %slice3A_39 : vector<1x512x128xf32> to vector<512x128xf32>
    %sub3A_41 = arith.subf %squeeze3A_38, %squeeze3A_40 : vector<512x128xf32>
    %abs3A_42 = math.absf %sub3A_41 : vector<512x128xf32>
    %lt3A_43 = arith.constant 1.000000e+00 : f32
    %lt3A_44 = vector.broadcast %lt3A_43 : f32 to vector<512x128xf32>
    %lt3A_45 = arith.cmpf olt, %abs3A_42, %lt3A_44 : vector<512x128xf32>
    %mul3A_46 = arith.constant 5.000000e-01 : f32
    %mul3A_47 = vector.broadcast %mul3A_46 : f32 to vector<512x128xf32>
    %mul3A_48 = arith.mulf %mul3A_47, %sub3A_41 : vector<512x128xf32>
    %mul3A_49 = arith.mulf %mul3A_48, %sub3A_41 : vector<512x128xf32>
    %sub3A_50 = arith.constant 5.000000e-01 : f32
    %sub3A_51 = vector.broadcast %sub3A_50 : f32 to vector<512x128xf32>
    %sub3A_52 = arith.subf %abs3A_42, %sub3A_51 : vector<512x128xf32>
    %select_n3A_53 = arith.select %lt3A_45, %mul3A_49, %sub3A_52 : vector<512x128xi1>, vector<512x128xf32>
    %jit3A_54 = arith.constant 0.000000e+00 : f32
    %broadcast_in_dim3A_55 = vector.broadcast %jit3A_54 : f32 to vector<512x128xf32>
    %select_n3A_56 = arith.select %gt3A_10, %select_n3A_53, %broadcast_in_dim3A_55 : vector<512x128xi1>, vector<512x128xf32>
    %reduce_sum3A_57 = arith.constant dense<0.000000e+00> : vector<128xf32>
    %reduce_sum3A_58 = vector.multi_reduction <add>, %select_n3A_56, %reduce_sum3A_57 [0] : vector<512x128xf32> to vector<128xf32>
    %broadcast_in_dim3A_59 = vector.shape_cast %reduce_sum3A_58 : vector<128xf32> to vector<1x128xf32>
    %slice3A_60 = vector.extract_strided_slice %get3A_2 {offsets = [3, 0, 0], sizes = [1, 512, 128], strides = [1, 1, 1]} : vector<5x512x128xf32> to vector<1x512x128xf32>
    %squeeze3A_61 = vector.shape_cast %slice3A_60 : vector<1x512x128xf32> to vector<512x128xf32>
    %slice3A_62 = vector.extract_strided_slice %get3A_6 {offsets = [3, 0, 0], sizes = [1, 512, 128], strides = [1, 1, 1]} : vector<5x512x128xf32> to vector<1x512x128xf32>
    %squeeze3A_63 = vector.shape_cast %slice3A_62 : vector<1x512x128xf32> to vector<512x128xf32>
    %sub3A_64 = arith.subf %squeeze3A_61, %squeeze3A_63 : vector<512x128xf32>
    %abs3A_65 = math.absf %sub3A_64 : vector<512x128xf32>
    %lt3A_66 = arith.constant 1.000000e+00 : f32
    %lt3A_67 = vector.broadcast %lt3A_66 : f32 to vector<512x128xf32>
    %lt3A_68 = arith.cmpf olt, %abs3A_65, %lt3A_67 : vector<512x128xf32>
    %mul3A_69 = arith.constant 5.000000e-01 : f32
    %mul3A_70 = vector.broadcast %mul3A_69 : f32 to vector<512x128xf32>
    %mul3A_71 = arith.mulf %mul3A_70, %sub3A_64 : vector<512x128xf32>
    %mul3A_72 = arith.mulf %mul3A_71, %sub3A_64 : vector<512x128xf32>
    %sub3A_73 = arith.constant 5.000000e-01 : f32
    %sub3A_74 = vector.broadcast %sub3A_73 : f32 to vector<512x128xf32>
    %sub3A_75 = arith.subf %abs3A_65, %sub3A_74 : vector<512x128xf32>
    %select_n3A_76 = arith.select %lt3A_68, %mul3A_72, %sub3A_75 : vector<512x128xi1>, vector<512x128xf32>
    %jit3A_77 = arith.constant 0.000000e+00 : f32
    %broadcast_in_dim3A_78 = vector.broadcast %jit3A_77 : f32 to vector<512x128xf32>
    %select_n3A_79 = arith.select %gt3A_10, %select_n3A_76, %broadcast_in_dim3A_78 : vector<512x128xi1>, vector<512x128xf32>
    %reduce_sum3A_80 = arith.constant dense<0.000000e+00> : vector<128xf32>
    %reduce_sum3A_81 = vector.multi_reduction <add>, %select_n3A_79, %reduce_sum3A_80 [0] : vector<512x128xf32> to vector<128xf32>
    %broadcast_in_dim3A_82 = vector.shape_cast %reduce_sum3A_81 : vector<128xf32> to vector<1x128xf32>
    %slice3A_83 = vector.extract_strided_slice %get3A_2 {offsets = [4, 0, 0], sizes = [1, 512, 128], strides = [1, 1, 1]} : vector<5x512x128xf32> to vector<1x512x128xf32>
    %squeeze3A_84 = vector.shape_cast %slice3A_83 : vector<1x512x128xf32> to vector<512x128xf32>
    %slice3A_85 = vector.extract_strided_slice %get3A_6 {offsets = [4, 0, 0], sizes = [1, 512, 128], strides = [1, 1, 1]} : vector<5x512x128xf32> to vector<1x512x128xf32>
    %squeeze3A_86 = vector.shape_cast %slice3A_85 : vector<1x512x128xf32> to vector<512x128xf32>
    %sub3A_87 = arith.subf %squeeze3A_84, %squeeze3A_86 : vector<512x128xf32>
    %abs3A_88 = math.absf %sub3A_87 : vector<512x128xf32>
    %lt3A_89 = arith.constant 1.000000e+00 : f32
    %lt3A_90 = vector.broadcast %lt3A_89 : f32 to vector<512x128xf32>
    %lt3A_91 = arith.cmpf olt, %abs3A_88, %lt3A_90 : vector<512x128xf32>
    %mul3A_92 = arith.constant 5.000000e-01 : f32
    %mul3A_93 = vector.broadcast %mul3A_92 : f32 to vector<512x128xf32>
    %mul3A_94 = arith.mulf %mul3A_93, %sub3A_87 : vector<512x128xf32>
    %mul3A_95 = arith.mulf %mul3A_94, %sub3A_87 : vector<512x128xf32>
    %sub3A_96 = arith.constant 5.000000e-01 : f32
    %sub3A_97 = vector.broadcast %sub3A_96 : f32 to vector<512x128xf32>
    %sub3A_98 = arith.subf %abs3A_88, %sub3A_97 : vector<512x128xf32>
    %select_n3A_99 = arith.select %lt3A_91, %mul3A_95, %sub3A_98 : vector<512x128xi1>, vector<512x128xf32>
    %jit3A_100 = arith.constant 0.000000e+00 : f32
    %broadcast_in_dim3A_101 = vector.broadcast %jit3A_100 : f32 to vector<512x128xf32>
    %select_n3A_102 = arith.select %gt3A_10, %select_n3A_99, %broadcast_in_dim3A_101 : vector<512x128xi1>, vector<512x128xf32>
    %reduce_sum3A_103 = arith.constant dense<0.000000e+00> : vector<128xf32>
    %reduce_sum3A_104 = vector.multi_reduction <add>, %select_n3A_102, %reduce_sum3A_103 [0] : vector<512x128xf32> to vector<128xf32>
    %broadcast_in_dim3A_105 = vector.shape_cast %reduce_sum3A_104 : vector<128xf32> to vector<1x128xf32>
    %logistic3A = arith.negf %squeeze3A_8 : vector<512x128xf32>
    %logistic3A_106 = math.exp %logistic3A : vector<512x128xf32>
    %logistic3A_107 = arith.constant 1.000000e+00 : f32
    %logistic3A_108 = vector.broadcast %logistic3A_107 : f32 to vector<512x128xf32>
    %logistic3A_109 = arith.addf %logistic3A_108, %logistic3A_106 : vector<512x128xf32>
    %logistic3A_110 = arith.divf %logistic3A_108, %logistic3A_109 : vector<512x128xf32>
    %jit3A_111 = arith.constant 9.99999996E-13 : f32
    %jit3A_112 = arith.constant 1.000000e+00 : f32
    %max3A = vector.broadcast %jit3A_111 : f32 to vector<512x128xf32>
    %max3A_113 = arith.maximumf %max3A, %logistic3A_110 : vector<512x128xf32>
    %min3A = vector.broadcast %jit3A_112 : f32 to vector<512x128xf32>
    %min3A_114 = arith.minimumf %min3A, %max3A_113 : vector<512x128xf32>
    %log3A = math.log %min3A_114 : vector<512x128xf32>
    %mul3A_115 = arith.mulf %squeeze3A, %log3A : vector<512x128xf32>
    %sub3A_116 = arith.constant 1.000000e+00 : f32
    %sub3A_117 = vector.broadcast %sub3A_116 : f32 to vector<512x128xf32>
    %sub3A_118 = arith.subf %sub3A_117, %squeeze3A : vector<512x128xf32>
    %sub3A_119 = arith.constant 1.000000e+00 : f32
    %sub3A_120 = vector.broadcast %sub3A_119 : f32 to vector<512x128xf32>
    %sub3A_121 = arith.subf %sub3A_120, %min3A_114 : vector<512x128xf32>
    %log3A_122 = math.log %sub3A_121 : vector<512x128xf32>
    %mul3A_123 = arith.mulf %sub3A_118, %log3A_122 : vector<512x128xf32>
    %add3A = arith.addf %mul3A_115, %mul3A_123 : vector<512x128xf32>
    %neg3A = arith.constant 0.000000e+00 : f32
    %neg3A_124 = vector.broadcast %neg3A : f32 to vector<512x128xf32>
    %neg3A_125 = arith.subf %neg3A_124, %add3A : vector<512x128xf32>
    %jit3A_126 = arith.constant 0.000000e+00 : f32
    %broadcast_in_dim3A_127 = vector.broadcast %jit3A_126 : f32 to vector<512x128xf32>
    %select_n3A_128 = arith.select %gt3A_10, %neg3A_125, %broadcast_in_dim3A_127 : vector<512x128xi1>, vector<512x128xf32>
    %reduce_sum3A_129 = arith.constant dense<0.000000e+00> : vector<128xf32>
    %reduce_sum3A_130 = vector.multi_reduction <add>, %select_n3A_128, %reduce_sum3A_129 [0] : vector<512x128xf32> to vector<128xf32>
    %broadcast_in_dim3A_131 = vector.shape_cast %reduce_sum3A_130 : vector<128xf32> to vector<1x128xf32>
    %ge3A = arith.constant 5.000000e-01 : f32
    %ge3A_132 = vector.broadcast %ge3A : f32 to vector<512x128xf32>
    %ge3A_133 = arith.cmpf oge, %min3A_114, %ge3A_132 : vector<512x128xf32>
    %and3A = arith.andi %gt3A_10, %ge3A_133 : vector<512x128xi1>
    %jit3A_134 = arith.constant 1.000000e+00 : f32
    %jit3A_135 = arith.constant 0.000000e+00 : f32
    %broadcast_in_dim3A_136 = vector.broadcast %jit3A_134 : f32 to vector<512x128xf32>
    %broadcast_in_dim3A_137 = vector.broadcast %jit3A_135 : f32 to vector<512x128xf32>
    %select_n3A_138 = arith.select %and3A, %broadcast_in_dim3A_136, %broadcast_in_dim3A_137 : vector<512x128xi1>, vector<512x128xf32>
    %reduce_sum3A_139 = arith.constant dense<0.000000e+00> : vector<128xf32>
    %reduce_sum3A_140 = vector.multi_reduction <add>, %select_n3A_138, %reduce_sum3A_139 [0] : vector<512x128xf32> to vector<128xf32>
    %broadcast_in_dim3A_141 = vector.shape_cast %reduce_sum3A_140 : vector<128xf32> to vector<1x128xf32>
    %broadcast_in_dim3A_142 = arith.constant 0.000000e+00 : f32
    %broadcast_in_dim3A_143 = vector.broadcast %broadcast_in_dim3A_142 : f32 to vector<1x128xf32>
    %concatenate3A = tpu.concatenate %broadcast_in_dim3A_16, %broadcast_in_dim3A_36, %broadcast_in_dim3A_59, %broadcast_in_dim3A_82, %broadcast_in_dim3A_105, %broadcast_in_dim3A_131, %broadcast_in_dim3A_141, %broadcast_in_dim3A_143 in 0 : vector<1x128xf32>, vector<1x128xf32>, vector<1x128xf32>, vector<1x128xf32>, vector<1x128xf32>, vector<1x128xf32>, vector<1x128xf32>, vector<1x128xf32> -> vector<8x128xf32>
    %eq3A = arith.constant 0 : i32
    %eq3A_144 = arith.cmpi eq, %arg0, %eq3A : i32
    %convert_element_type3A = arith.extui %eq3A_144 : i1 to i32
    %cond3A = arith.constant 0 : i32
    %cond3A_145 = arith.cmpi ne, %convert_element_type3A, %cond3A : i32
    scf.if %cond3A_145 {
      %swap3A_172 = arith.constant 0 : index
      %swap3A_173 = arith.constant 0 : index
      %swap3A_174 = vector.load %arg3[%swap3A_172, %swap3A_173] : memref<8x128xf32, #tpu.memory_space<vmem>>, vector<8x128xf32>
      tpu.vector_store %arg3[%swap3A_172, %swap3A_173], %concatenate3A {strides = array<i32>} : memref<8x128xf32, #tpu.memory_space<vmem>>, vector<8x128xf32>,
    } else {
    }
    %gt3A_146 = arith.constant 0 : i32
    %gt3A_147 = arith.cmpi sgt, %arg0, %gt3A_146 : i32
    %convert_element_type3A_148 = arith.extui %gt3A_147 : i1 to i32
    %cond3A_149 = arith.constant 0 : i32
    %cond3A_150 = arith.cmpi ne, %convert_element_type3A_148, %cond3A_149 : i32
    scf.if %cond3A_150 {
      %get3A_172 = arith.constant 0 : index
      %get3A_173 = arith.constant 0 : index
      %get3A_174 = vector.load %arg3[%get3A_172, %get3A_173] : memref<8x128xf32, #tpu.memory_space<vmem>>, vector<8x128xf32>
      %add3A_175 = arith.addf %get3A_174, %concatenate3A : vector<8x128xf32>
      %swap3A_176 = arith.constant 0 : index
      %swap3A_177 = arith.constant 0 : index
      %swap3A_178 = vector.load %arg3[%swap3A_176, %swap3A_177] : memref<8x128xf32, #tpu.memory_space<vmem>>, vector<8x128xf32>
      tpu.vector_store %arg3[%swap3A_176, %swap3A_177], %add3A_175 {strides = array<i32>} : memref<8x128xf32, #tpu.memory_space<vmem>>, vector<8x128xf32>,
    } else {
    }
    %jit3A_151 = arith.constant 0xFF800000 : f32
    %broadcast_in_dim3A_152 = vector.broadcast %jit3A_151 : f32 to vector<512x128xf32>
    %select_n3A_153 = arith.select %lt3A_12, %squeeze3A_8, %broadcast_in_dim3A_152 : vector<512x128xi1>, vector<512x128xf32>
    %iota3A = tpu.iota {dimensions = array<i32: 0>} : vector<512x128xi32>
    %iota3A_154 = tpu.iota {dimensions = array<i32: 1>} : vector<512x128xi32>
    %mul3A_155 = arith.constant 128 : i32
    %mul3A_156 = vector.broadcast %mul3A_155 : i32 to vector<512x128xi32>
    %mul3A_157 = arith.muli %iota3A, %mul3A_156 : vector<512x128xi32>
    %add3A_158 = arith.addi %mul3A_157, %iota3A_154 : vector<512x128xi32>
    %iota3A_159 = tpu.iota {dimensions = array<i32: 1>} : vector<1x128xi32>
    %broadcast_in_dim3A_160 = arith.constant 0xFF800000 : f32
    %broadcast_in_dim3A_161 = vector.broadcast %broadcast_in_dim3A_160 : f32 to vector<1x128xf32>
    %scan3A = arith.constant 0 : i32
    %scan3A_162 = arith.constant 64 : i32
    %scan3A_163 = arith.addi %scan3A, %scan3A_162 : i32
    %scan3A_164 = arith.constant 1 : i32
    %scan3A_165:2 = scf.for %scan3A_172 = %scan3A to %scan3A_163 step %scan3A_164 iter_args(%scan3A_173 = %select_n3A_153, %scan3A_174 = %broadcast_in_dim3A_161) -> (vector<512x128xf32>, vector<1x128xf32>)  : i32 {
      %reduce_max3A = vector.shape_cast %scan3A_173 : vector<512x128xf32> to vector<1x512x128xf32>
      %reduce_max3A_175 = arith.constant dense<0xFF800000> : vector<1xf32>
      %reduce_max3A_176 = vector.multi_reduction <maximumf>, %reduce_max3A, %reduce_max3A_175 [1, 2] : vector<1x512x128xf32> to vector<1xf32>
      %reduce_max3A_177 = vector.shape_cast %reduce_max3A_176 : vector<1xf32> to vector<1x1x1xf32>
      %reduce_max3A_178 = vector.extract %reduce_max3A_177[0, 0, 0] : f32 from vector<1x1x1xf32>
      %eq3A_179 = vector.broadcast %reduce_max3A_178 : f32 to vector<512x128xf32>
      %eq3A_180 = arith.cmpf oeq, %scan3A_173, %eq3A_179 : vector<512x128xf32>
      %jit3A_181 = arith.constant 1073741824 : i32
      %broadcast_in_dim3A_182 = vector.broadcast %jit3A_181 : i32 to vector<512x128xi32>
      %select_n3A_183 = arith.select %eq3A_180, %add3A_158, %broadcast_in_dim3A_182 : vector<512x128xi1>, vector<512x128xi32>
      %reduce_min3A = vector.shape_cast %select_n3A_183 : vector<512x128xi32> to vector<1x512x128xi32>
      %reduce_min3A_184 = arith.constant dense<2147483647> : vector<1xi32>
      %reduce_min3A_185 = vector.multi_reduction <minsi>, %reduce_min3A, %reduce_min3A_184 [1, 2] : vector<1x512x128xi32> to vector<1xi32>
      %reduce_min3A_186 = vector.shape_cast %reduce_min3A_185 : vector<1xi32> to vector<1x1x1xi32>
      %reduce_min3A_187 = vector.extract %reduce_min3A_186[0, 0, 0] : i32 from vector<1x1x1xi32>
      %eq3A_188 = vector.broadcast %reduce_min3A_187 : i32 to vector<512x128xi32>
      %eq3A_189 = arith.cmpi eq, %add3A_158, %eq3A_188 : vector<512x128xi32>
      %jit3A_190 = arith.constant 0xFF800000 : f32
      %broadcast_in_dim3A_191 = vector.broadcast %jit3A_190 : f32 to vector<512x128xf32>
      %select_n3A_192 = arith.select %eq3A_189, %broadcast_in_dim3A_191, %scan3A_173 : vector<512x128xi1>, vector<512x128xf32>
      %eq3A_193 = vector.broadcast %scan3A_172 : i32 to vector<1x128xi32>
      %eq3A_194 = arith.cmpi eq, %iota3A_159, %eq3A_193 : vector<1x128xi32>
      %broadcast_in_dim3A_195 = vector.broadcast %reduce_max3A_178 : f32 to vector<1x128xf32>
      %select_n3A_196 = arith.select %eq3A_194, %broadcast_in_dim3A_195, %scan3A_174 : vector<1x128xi1>, vector<1x128xf32>
      scf.yield %select_n3A_192, %select_n3A_196 : vector<512x128xf32>, vector<1x128xf32>
    }
    %scan3A_166 = arith.constant 64 : i32
    %broadcast_in_dim3A_167 = arith.constant 0xFF800000 : f32
    %broadcast_in_dim3A_168 = vector.broadcast %broadcast_in_dim3A_167 : f32 to vector<7x128xf32>
    %concatenate3A_169 = tpu.concatenate %scan3A_165#1, %broadcast_in_dim3A_168 in 0 : vector<1x128xf32>, vector<7x128xf32> -> vector<8x128xf32>
    %swap3A = arith.constant 0 : index
    %swap3A_170 = arith.constant 0 : index
    %swap3A_171 = vector.load %arg4[%swap3A, %swap3A_170] : memref<8x128xf32, #tpu.memory_space<vmem>>, vector<8x128xf32>
    tpu.vector_store %arg4[%swap3A, %swap3A_170], %concatenate3A_169 {strides = array<i32>} : memref<8x128xf32, #tpu.memory_space<vmem>>, vector<8x128xf32>,
    return
  }
  func.func @transform_0(%arg0: i32) -> (i32, i32, i32) {
    %c0_i32 = arith.constant 0 : i32
    %c0_i32_0 = arith.constant 0 : i32
    %c0_i32_1 = arith.constant 0 : i32
    return %c0_i32, %arg0, %c0_i32_0 : i32, i32, i32
  }
  func.func @transform_1(%arg0: i32) -> (i32, i32, i32) {
    %c0_i32 = arith.constant 0 : i32
    %c0_i32_0 = arith.constant 0 : i32
    %c0_i32_1 = arith.constant 0 : i32
    return %c0_i32, %arg0, %c0_i32_0 : i32, i32, i32
  }
  func.func @transform_2(%arg0: i32) -> (i32, i32) {
    %c0_i32 = arith.constant 0 : i32
    %c0_i32_0 = arith.constant 0 : i32
    %c0_i32_1 = arith.constant 0 : i32
    return %c0_i32, %c0_i32_0 : i32, i32
  }
  func.func @transform_3(%arg0: i32) -> (i32, i32) {
    %c0_i32 = arith.constant 0 : i32
    %c0_i32_0 = arith.constant 0 : i32
    return %arg0, %c0_i32 : i32, i32
  }
}

</mosaic_0001>

<sc_bundles>
// kernel: sparse-core-data-format-call.1.cloned.1.call-start
scs
called_computation.1_lowered:
.L_overlay_start_0:
0x0: {  	s2 =	sld [smem:$0x3FD9]  }
0x1: {  	s3 =	sld [smem:$0x3FFE];
	_ =	sdelay $0x1  }
0x2: {  	s1 =	srdreg.scid  }
0x3: {  	s0 =	sand.u32 $0x1, s1  }
0x4: {  	s18 =	sshll.u32 s0, $0xA;
	s2 =	sadd.s32 s3, s2  }
0x5: {  	s2 =	sadd.s32 s2, s18  }
0x6: {  	[smem:$0x3FC6] =	sst s2  }
0x7: {  	_ = 	snop  }
0x8: {  	s19 =	sld [smem:$0x3FC8];
	(tm) =	ssettm $0x1  }
0x9: {  	s20 =	sld [smem:$0x3FFB];
	_ =	sdelay $0x3  }
0xa: {  	_ =	strace s20  }
0xb: {  	s2 =	sld [smem:$0x3FFC];
	_ =	sdelay $0x3  }
0xc: {  	_ =	strace s2  }
0xd: {  	s2 =	sld [smem:$0x3FFD];
	_ =	sdelay $0x3  }
0xe: {  	_ =	strace s2  }
0xf: {  	_ =	strace $0x8FFFFFFF  }
0x10: {  	s21 =	sld [smem:$0x3FDB];
	_ =	sdelay $0x1  }
0x11: {  	s4 =	simm.s32 $_scs_section_size  }
0x12: {  	s5 =	simm.s32 $_size__tile_overlayer_lowered;
	s6 =	simm.s32 $_tile_overlayer_lowered  }
0x13: {  	s7 =	simm.s32 $0x1BFF;
	s22 =	sshll.u32 s6, $0x1;
	s4 =	sadd.s32 s4, s21  }
0x14: {  	s23 =	simm.s32 $0x0;
	s5 =	sshll.u32 s5, $0x1;
	s6 =	sadd.s32 s22, s4  }
0x15: {  	[timem:s23], [sflag:s7] =	dma.local [hbm:s6], s5  }
0x16: {  	_ =	swait.ge [sflag:s7], s5  }
0x17: {  	s5 =	ssub.s32 $0x0, s5;
	[sflag:s7] =	ssyncset.done $0x0  }
0x18: {  	[sflag:s7] =	ssyncadd.s32 s5;
	_ =	sdelay $0x1  }
0x19: {  	s24 =	simm.s32 $0x1B8B  }
0x1a: {  	_ =	swait.ge [sflag:s24], $0x1  }
0x1b: {  	[sflag:s24] =	ssyncset.done $0x0  }
0x1c: {  	[sflag:s24] =	ssyncadd.s32 $0xFFFFFFFF  }
0x1d: {  	s5 =	sld [smem:$0x0]  }
0x1e: {  	s6 =	sand.u32 $0xFFFFFFFE, s1  }
0x1f: {  	p0 =	sne.s32 s1, s6  }
0x20: {  	s6 =	sshll.u32 @p0 s6, $0xE  }
0x21: {  	s6 =	sadd.s32 @p0 $0x11B8D, s6;
	s7 =	sshll.u32 @p0 s5, $0x11  }
0x22: {  	s6 =	sor.u32 @p0 s7, s6  }
0x23: {  	[sflag:s6] =	ssyncadd.remote.s32 @p0 $0x1;
	_ =	sdelay $0x1  }
0x24: {  	s6 =	simm.s32 @p0 $0x1B8D  }
0x25: {  	_ =	swait.eq @p0 [sflag:s6], $0x1  }
0x26: {  	[sflag:s6] =	ssyncadd.s32 @p0 $0xFFFFFFFF  }
0x27: {  	s7 =	sshll.u32 @!p0 s1, $0xE  }
0x28: {  	s7 =	sor.u32 @!p0 $0x4000, s7;
	s6 =	simm.s32 @!p0 $0x1B8D  }
0x29: {  	s5 =	sshll.u32 @!p0 s5, $0x11;
	s7 =	sadd.s32 @!p0 $0x11B8D, s7;
	_ =	swait.eq @!p0 [sflag:s6], $0x1  }
0x2a: {  	s5 =	sor.u32 @!p0 s5, s7;
	[sflag:s6] =	ssyncadd.s32 @!p0 $0xFFFFFFFF  }
0x2b: {  	s26 =	simm.s32 $0x1B8E;
	s25 =	sld [smem:$0x3FFE];
	[sflag:s5] =	ssyncadd.remote.s32 @!p0 $0x1  }
0x2c: {  	s27 =	simm.s32 $execute0_lowered;
	[smem:$0x3FD2] =	sst s26  }
0x2d: {  	s6 =	sshll.u32 s27, $0x1;
	_ =	strace $0x80000049;
	[dreg:$0x1] =	wrdreg $0xFFFFFFFF  }
0x2e: {  	s28 =	simm.s32 $_size_execute0_lowered;
	s4 =	sadd.s32 s4, s6;
	[dreg:$0x0] =	wrdreg $0x0  }
0x2f: {  	s6 =	sshll.u32 s28, $0x1;
	[dreg:$0x2] =	wrdreg s4  }
0x30: {  	[dreg:$0x3] =	wrdreg s6  }
0x31: {  	[dreg:$0x4] =	wrdreg $0xC0  }
0x32: {  	_ =	task [dreg:s23], $0x5FFFF  }
0x33: {  	[dreg:$0x1] =	wrdreg $0xFFFFFFFF  }
0x34: {  	[dreg:$0x0] =	wrdreg $0x60  }
0x35: {  	[dreg:$0x2] =	wrdreg s19  }
0x36: {  	[dreg:$0x3] =	wrdreg s25  }
0x37: {  	[dreg:$0x4] =	wrdreg $0xA  }
0x38: {  	_ =	task.clear_ibuf [dreg:s23], $0x5FFFF;
	_ =	strace $0x90000049  }
0x39: {  	s29 =	simm.s32 $0xA;
	_ =	strace $0x8000004B  }
0x3a: {  	_ =	swait.ge [sflag:s29], $0x1  }
0x3b: {  	[sflag:s29] =	ssyncadd.s32 $0xFFFFFFFF  }
0x3c: {  	_ =	strace $0x9000004B  }
0x3d: {  	_ =	sfence  }
0x3e: {  	s30 =	sld [smem:$0x0];
	_ =	sdelay $0x2  }
0x3f: {  	s31 =	sshll.u32 s1, $0xD;
	s1 =	sshrl.u32 s1, $0x2  }
0x40: {  	s4 =	sand.u32 $0x4000, s31;
	s1 =	sadd.s32 s1, s30  }
0x41: {  	s0 =	sor.u32 s4, s0;
	s1 =	sshll.u32 s1, $0x11  }
0x42: {  	s0 =	sor.u32 s1, s0  }
0x43: {  	s0 =	sadd.s32 $0x8F2B, s0  }
0x44: {  	[sflag:s0] =	ssyncadd.remote.s32 $0x1  }
0x45: {  	_ =	sfence.sel $0xFFFF  }
0x46: {  	[dreg:$0x0] =	wrdreg $0xFFFFFFFF;
	(pc) =	sbr.abs _section_cstart, $3  }
0x47: {  	[dreg:$0x1] =	wrdreg $0xFFFFFFFF  }
0x48: {  	_ =	task.clear_ibuf [dreg:s23], $0x2FFFF;
	_ =	strace $0x9FFFFFFF  }
0x49: {  	(tm) =	ssettm $0x7FFFFFFF  }
tec
execute0_lowered:
.L_overlay_start_1:
0x0: {  	(tag) =	ssettag $0x1  }
0x1: {  	s0 =	srdreg.scid  }
0x2: {  	s1 =	sshll.u32 s0, $0x4  }
0x3: {  	s3 =	rddreg [dreg:$0x0];
	s0 =	stileid.u32;
	s1 =	sand.u32 $0x10, s1  }
0x4: {  	s6 =	rddreg [dreg:$0x1];
	s1 =	sor.u32 s0, s1  }
0x5: {  	s5 =	simm.s32 $0x1;
	s31 =	simm.s32 $0x2;
	s2 =	sshll.u32 s1, $0x7  }
0x6: {  	s15 =	simm.s32 $0x0;
	s8 =	simm.s32 $0xC0000;
	s4 =	ssub.s32 $0x18000, s2  }
0x7: {  	s9 =	simm.s32 $0x0;
	s14 =	simm.s32 $0x0;
	s30 =	sand.u32 $0xF80, s4  }
0x8: {  	s16 =	simm.s32 $0x0;
	s11 =	simm.s32 $0x0;
	p0 =	sne.s32 s30, $0x0  }
.Ltmp0:
0x9: {  	s7 =	sshrl.u32 s4, $0xC;
	s5 =	simm.s32 @!p0 $0x0;
	(pc) =	sbr.rel .LBB1_1-.Ltmp0, $4  }
0xa: {  	s12 =	simm.s32 $0x0;
	s1 =	rddreg [dreg:$0x2];
	s5 =	sadd.s32 s5, s7  }
0xb: {  	_ =	strace $0x8000004A;
	s4 =	simm.s32 $0x1;
	s5 =	smul.u32 $0x5, s5  }
0xc: {  	s13 =	simm.s32 $0x0;
	s6 =	sadd.s32 $0x300E00, s6;
	[sflag:s4] =	ssyncpa.u1 $0x0  }
0xd: {  	s10 =	smov.u32 s2;
	[sflag:s31] =	ssyncpa.u1 $0x0;
	s7 =	sadd.s32 $0x1, s5  }
.LBB1_4:
0xe: {  	_ =	sdelay $0x3  }
0xf: {  	[tilespmem:v0+s19+$0xFFFFFFA0 ss:$0x1] =	vst.idx.msk $0xffff, v7;
	s20 =	sshrl.u32 s16, $0x3  }
0x10: {  	v56 =	vld.idx.msk [tilespmem:v1+s18+$0x30 ss:$0x1], $0xffff;
	[tilespmem:v0+s19+$0xFFFFFFB0 ss:$0x1] =	vst.idx.msk $0xffff, v6;
	s21 =	sshll.u32 s15, $0x3;
	s24 =	sshll.u32 s16, $0x7;
	s20 =	smul.u32 $0xC0000, s20  }
0x11: {  	v57 =	vld.idx.msk [tilespmem:v1+s18+$0xFFFFFFC0 ss:$0x1], $0xffff;
	[tilespmem:v0+s19+$0xFFFFFFC0 ss:$0x1] =	vst.idx.msk $0xffff, v4;
	s25 =	sand.u32 $0x7F, s15;
	s21 =	sand.u32 $0xFFFFFC00, s21;
	s16 =	sand.u32 $0x380, s24  }
0x12: {  	v58 =	vld.idx.msk [tilespmem:v1+s18+$0xFFFFFFD0 ss:$0x1], $0xffff;
	[tilespmem:v0+s19+$0xFFFFFFD0 ss:$0x1] =	vst.idx.msk $0xffff, v2;
	s15 =	sor.u32 s16, s25;
	s20 =	sadd.s32 s20, s21  }
0x13: {  	v59 =	vld.idx.msk [tilespmem:v1+s18+$0xFFFFFFE0 ss:$0x1], $0xffff;
	[tilespmem:v0+s19+$0xFFFFFFE0 ss:$0x1] =	vst.idx.msk $0xffff, v3;
	s15 =	sor.u32 s20, s15  }
0x14: {  	v60 =	vld.idx.msk [tilespmem:v1+s18+$0xFFFFFFF0 ss:$0x1], $0xffff;
	[tilespmem:v0+s19+$0xFFFFFFF0 ss:$0x1] =	vst.idx.msk $0xffff, v5;
	s26 =	smulhi.u32 $0xAAAAAAAB, s15  }
0x15: {  	v61 =	vld.idx.msk [tilespmem:v1+s18+$0x0 ss:$0x1], $0xffff;
	s27 =	smulhi.u32 $0xAAAAAAAB, s20;
	[tilespmem:v0+s18+$0x0 ss:$0x1] =	vst.idx.msk $0xffff, v56  }
0x16: {  	v62 =	vld.idx.msk [tilespmem:v1+s18+$0x10 ss:$0x1], $0xffff;
	[tilespmem:v0+s18+$0xFFFFFF90 ss:$0x1] =	vst.idx.msk $0xffff, v57;
	s16 =	sshrl.u32 s26, $0x10  }
0x17: {  	v63 =	vld.idx.msk [tilespmem:v1+s18+$0x20 ss:$0x1], $0xffff;
	[tilespmem:v0+s18+$0xFFFFFFA0 ss:$0x1] =	vst.idx.msk $0xffff, v58;
	s19 =	sshrl.u32 s27, $0x10;
	s16 =	smul.u32 $0x18000, s16  }
0x18: {  	s14 =	smul.u32 $0x18000, s14;
	[tilespmem:v0+s18+$0xFFFFFFB0 ss:$0x1] =	vst.idx.msk $0xffff, v59;
	s19 =	sand.u32 $0x7, s19  }
0x19: {  	[tilespmem:v0+s18+$0xFFFFFFC0 ss:$0x1] =	vst.idx.msk $0xffff, v60;
	s28 =	smul.u32 $0x3000, s19;
	s15 =	ssub.s32 s15, s16  }
0x1a: {  	s14 =	sadd.s32 s6, s14;
	[tilespmem:v0+s18+$0xFFFFFFD0 ss:$0x1] =	vst.idx.msk $0xffff, v61;
	s29 =	sand.u32 $0x7, s15  }
0x1b: {  	[tilespmem:v0+s18+$0xFFFFFFE0 ss:$0x1] =	vst.idx.msk $0xffff, v62;
	s14 =	sadd.s32 s28, s14;
	s15 =	sshrl.u32 s15, $0x3;
	s30 =	sshll.u32 s29, $0x12  }
0x1c: {  	[tilespmem:v0+s18+$0xFFFFFFF0 ss:$0x1] =	vst.idx.msk $0xffff, v63;
	s14 =	sadd.s32 s15, s14;
	s31 =	sor.u32 $0x80, s30  }
0x1d: {  	[hbm4b:s14+s31] =	stream.strided.scatter [tilespmem:s17], [sflag:$0x2], $0x1000, s8, s31, $0x38;
	[tilespmem:$0x4000] =	vst v63  }
.LBB1_5:
0x1e: {  	s17 =	sadd.s32 $0x1000, s10  }
0x1f: {  	s14 =	sadd.s32 $0x20, s11;
	s18 =	smov.u32 s11;
	p1 =	sgt.s32 s17, $0x17FFF  }
0x20: {  	s18 =	smov.u32 @p1 s14  }
0x21: {  	s14 =	simm.s32 $0x1;
	p2 =	sgt.s32 s18, $0x1F  }
0x22: {  	s14 =	simm.s32 @!p2 $0x0  }
0x23: {  	s20 =	sadd.s32 s14, s12  }
0x24: {  	s17 =	smov.u32 @p1 s2;
	p1 =	sgt.s32 s20, $0x4  }
0x25: {  	p0 =	slt.u32 s13, $0x2;
	s20 =	simm.s32 @p1 $0x0;
	p1 =	sne.s32 s13, s7  }
.Ltmp1:
0x26: {  	s19 =	simm.s32 @!p0 $0x2;
	(pc) =	sbr.rel @!p1 .LBB1_6-.Ltmp1, $4  }
0x27: {  	s15 =	smov.u32 s10;
	s16 =	smov.u32 s12;
	_ =	swait.ge @!p0 [sflag:s19], $0x1000  }
0x28: {  	s9 =	sadd.s32 $0x1000, s9;
	[sflag:s19] =	ssyncset.done @!p0 $0x0;
	s10 =	smov.u32 s17  }
0x29: {  	s18 =	simm.s32 @p2 $0x0;
	[sflag:s19] =	ssyncadd.s32 @!p0 $0xFFFFF000;
	s14 =	smov.u32 s11  }
0x2a: {  	s11 =	smov.u32 s18;
	s13 =	sadd.s32 $0x1, s13;
	s12 =	smov.u32 s20  }
.LBB1_1:
0x2b: {  	p0 =	sge.u32 s13, s5  }
0x2c: {  	s17 =	sshrl.u32 @!p0 s11, $0x3  }
0x2d: {  	s18 =	sshll.u32 @!p0 s10, $0x3;
	s19 =	sshll.u32 @!p0 s11, $0x7;
	s17 =	smul.u32 @!p0 $0xC0000, s17  }
0x2e: {  	s20 =	sand.u32 @!p0 $0x7F, s10;
	s18 =	sand.u32 @!p0 $0xFFFFFC00, s18;
	s19 =	sand.u32 @!p0 $0x380, s19  }
0x2f: {  	s17 =	sadd.s32 @!p0 s17, s18;
	s18 =	sor.u32 @!p0 s20, s19  }
0x30: {  	s18 =	sor.u32 @!p0 s17, s18  }
0x31: {  	s19 =	smulhi.u32 @!p0 $0xAAAAAAAB, s18  }
0x32: {  	s17 =	smulhi.u32 @!p0 $0xAAAAAAAB, s17  }
0x33: {  	s19 =	sshrl.u32 @!p0 s19, $0x10  }
0x34: {  	s31 =	sadd.s32 $0xFFFFFFFF, s13;
	s17 =	sshrl.u32 @!p0 s17, $0x10;
	s19 =	smul.u32 @!p0 $0x18000, s19  }
0x35: {  	s21 =	smul.u32 @!p0 $0x60000, s12;
	s20 =	sxor.u32 @!p0 $0xFFFFFFFF, s13;
	s17 =	sand.u32 @!p0 $0x1F, s17  }
0x36: {  	s20 =	sshll.u32 @!p0 s20, $0xC;
	s17 =	smul.u32 @!p0 $0x3000, s17;
	s18 =	ssub.s32 @!p0 s18, s19  }
0x37: {  	s19 =	sand.u32 @!p0 $0x1000, s20;
	s20 =	sadd.s32 @!p0 s3, s21;
	s21 =	sand.u32 @!p0 $0x7, s18  }
0x38: {  	s18 =	sshrl.u32 @!p0 s18, $0x3;
	s17 =	sadd.s32 @!p0 s17, s20;
	s20 =	sshll.u32 @!p0 s21, $0x12  }
0x39: {  	s17 =	sadd.s32 @!p0 s18, s17;
	s18 =	sor.u32 @!p0 $0x400, s20;
	s20 =	simm.s32 @!p0 $0xC0000  }
0x3a: {  	[tilespmem:s19], [sflag:$0x1] =	stream.strided.gather @!p0 [hbm4b:s17+s18], $0x1000, s20, s18, $0x38;
	[tilespmem:$0x4000] =	vst v63  }
0x3b: {  	p0 =	sge.u32 s31, s5  }
.Ltmp2:
0x3c: {  	_ = 	snop;
	(pc) =	sbr.rel @p0 .LBB1_5-.Ltmp2, $1  }
0x3d: {  	_ =	sdelay $0x3  }
0x3e: {  	s17 =	sand.u32 $0x1000, s9  }
0x3f: {  	s18 =	sor.u32 $0x40, s17  }
0x40: {  	v1 =	vmov s18;
	_ =	sdelay $0x1  }
0x41: {  	_ =	swait.ge [sflag:s4], $0x1000  }
0x42: {  	[sflag:s4] =	ssyncset.done $0x0  }
0x43: {  	s19 =	simm.s32 $0x0;
	[sflag:s4] =	ssyncadd.s32 $0xFFFFF000  }
0x44: {  	s17 =	sor.u32 $0x2070, s17;
	v5 =	vld.idx.msk [tilespmem:v1+s19+$0x30 ss:$0x1], $0xffff  }
0x45: {  	v0 =	vmov s17;
	v8 =	vld.idx.msk [tilespmem:v1+s19+$0xFFFFFFC0 ss:$0x1], $0xffff  }
0x46: {  	v7 =	vld.idx.msk [tilespmem:v1+s19+$0xFFFFFFD0 ss:$0x1], $0xffff  }
0x47: {  	v6 =	vld.idx.msk [tilespmem:v1+s19+$0xFFFFFFE0 ss:$0x1], $0xffff  }
0x48: {  	v4 =	vld.idx.msk [tilespmem:v1+s19+$0xFFFFFFF0 ss:$0x1], $0xffff  }
0x49: {  	s31 =	sshll.u32 s13, $0xC;
	v2 =	vld.idx.msk [tilespmem:v1+s19+$0x0 ss:$0x1], $0xffff  }
0x4a: {  	s17 =	sand.u32 $0x1000, s31;
	v3 =	vld.idx.msk [tilespmem:v1+s19+$0x10 ss:$0x1], $0xffff;
	[tilespmem:v0+s19+$0x0 ss:$0x1] =	vst.idx.msk $0xffff, v5  }
0x4b: {  	s20 =	simm.s32 $0x400;
	s18 =	simm.s32 $0x80;
	s17 =	sor.u32 $0x2000, s17;
	[tilespmem:v0+s19+$0xFFFFFF90 ss:$0x1] =	vst.idx.msk $0xffff, v8;
	v5 =	vld.idx.msk [tilespmem:v1+s19+$0x20 ss:$0x1], $0xffff  }
.LBB1_3:
0x4c: {  	p0 =	sne.s32 s20, $0x3E00;
	v8 =	vld.idx.msk [tilespmem:v1+s18+$0x30 ss:$0x1], $0xffff;
	[tilespmem:v0+s19+$0xFFFFFFA0 ss:$0x1] =	vst.idx.msk $0xffff, v7  }
0x4d: {  	v9 =	vld.idx.msk [tilespmem:v1+s18+$0xFFFFFFC0 ss:$0x1], $0xffff;
	[tilespmem:v0+s19+$0xFFFFFFB0 ss:$0x1] =	vst.idx.msk $0xffff, v6  }
0x4e: {  	v7 =	vld.idx.msk [tilespmem:v1+s18+$0xFFFFFFD0 ss:$0x1], $0xffff;
	[tilespmem:v0+s19+$0xFFFFFFC0 ss:$0x1] =	vst.idx.msk $0xffff, v4  }
.Ltmp3:
0x4f: {  	v6 =	vld.idx.msk [tilespmem:v1+s18+$0xFFFFFFE0 ss:$0x1], $0xffff;
	[tilespmem:v0+s19+$0xFFFFFFD0 ss:$0x1] =	vst.idx.msk $0xffff, v2;
	(pc) =	sbr.rel @p0 .LBB1_3-.Ltmp3, $4  }
0x50: {  	v4 =	vld.idx.msk [tilespmem:v1+s18+$0xFFFFFFF0 ss:$0x1], $0xffff;
	[tilespmem:v0+s19+$0xFFFFFFE0 ss:$0x1] =	vst.idx.msk $0xffff, v3  }
0x51: {  	v2 =	vld.idx.msk [tilespmem:v1+s18+$0x0 ss:$0x1], $0xffff;
	[tilespmem:v0+s19+$0xFFFFFFF0 ss:$0x1] =	vst.idx.msk $0xffff, v5;
	s19 =	smov.u32 s18  }
0x52: {  	v3 =	vld.idx.msk [tilespmem:v1+s19+$0x10 ss:$0x1], $0xffff;
	[tilespmem:v0+s19+$0x0 ss:$0x1] =	vst.idx.msk $0xffff, v8  }
0x53: {  	s18 =	sshra.s32 s20, $0x2;
	s20 =	sadd.s32 $0x200, s20;
	[tilespmem:v0+s19+$0xFFFFFF90 ss:$0x1] =	vst.idx.msk $0xffff, v9;
	v5 =	vld.idx.msk [tilespmem:v1+s19+$0x20 ss:$0x1], $0xffff  }
.Ltmp4:
0x54: {  	_ = 	snop;
	(pc) =	sbr.rel .LBB1_4-.Ltmp4, $1  }
0x55: {  	_ =	sdelay $0x3  }
.LBB1_6:
0x56: {  	_ =	sfence.sel $0x180000  }
0x57: {  	s2 =	simm.s32 $0x1;
	[bflag:$0x0] =	sbarrier.arrive $0xFFFF  }
0x58: {  	s31 =	simm.s32 $0x2;
	[sflag:s2] =	ssyncpa.u1 $0x1  }
0x59: {  	[sflag:s31] =	ssyncpa.u1 $0x1  }
0x5a: {  	p0 =	sne.s32 s0, $0x0;
	_ =	strace $0x9000004A  }
0x5b: {  	s0 =	sadd.s32 @!p0 $0x100000, s1;
	[bflag:$0x2] =	sbarrier.arrive $0xFFFF  }
0x5c: {  	[sflag:s0] =	ssyncadd.tile.s32 @!p0 $0x1;
	_ =	shalt  }
.Lfunc_end1:
_tile_overlayer_lowered:
.L_overlay_start_2:
0x5d: {  	(tag) =	ssettag $0x2  }
0x5e: {  	s0 =	rddreg [dreg:$0x0];
	s2 =	stileid.u32  }
0x5f: {  	s1 =	rddreg [dreg:$0x1];
	p0 =	sne.s32 s2, $0x0  }
0x60: {  	s3 =	rddreg [dreg:$0x2];
	[bflag:$0x3] =	sbarrier.arrive $0xFFFF;
	s2 =	simm.s32 @!p0 $0x1C01  }
0x61: {  	[timem:s3], [sflag:s2] =	dma.local @!p0 [hbm:s0], s1  }
0x62: {  	s0 =	simm.s32 @!p0 $0x1  }
0x63: {  	_ =	swait.ge @!p0 [sflag:s0], s1  }
0x64: {  	s1 =	ssub.s32 @!p0 $0x0, s1;
	[sflag:s0] =	ssyncset.done @!p0 $0x0  }
0x65: {  	[sflag:s0] =	ssyncadd.s32 @!p0 s1  }
0x66: {  	[bflag:$0x3] =	sbarrier.arrive $0xFFFF  }
0x67: {  	_ =	shalt  }

// kernel: sparse-core-data-format-call.cloned.1.call-start
scs
called_computation_lowered:
.L_overlay_start_0:
0x0: {  	s2 =	sld [smem:$0x3FD9]  }
0x1: {  	s3 =	sld [smem:$0x3FFE];
	_ =	sdelay $0x1  }
0x2: {  	s1 =	srdreg.scid  }
0x3: {  	s0 =	sand.u32 $0x1, s1  }
0x4: {  	s18 =	sshll.u32 s0, $0xA;
	s2 =	sadd.s32 s3, s2  }
0x5: {  	s2 =	sadd.s32 s2, s18  }
0x6: {  	[smem:$0x3FC6] =	sst s2  }
0x7: {  	_ = 	snop  }
0x8: {  	s2 =	sld [smem:$0x3FC9];
	(tm) =	ssettm $0x1  }
0x9: {  	s19 =	sld [smem:$0x3FFB];
	_ =	sdelay $0x3  }
0xa: {  	_ =	strace s19  }
0xb: {  	s3 =	sld [smem:$0x3FFC];
	_ =	sdelay $0x3  }
0xc: {  	_ =	strace s3  }
0xd: {  	s3 =	sld [smem:$0x3FFD];
	_ =	sdelay $0x3  }
0xe: {  	_ =	strace s3  }
0xf: {  	_ =	strace $0x8FFFFFFF  }
0x10: {  	s20 =	sld [smem:$0x3FDB];
	_ =	sdelay $0x1  }
0x11: {  	s4 =	simm.s32 $_scs_section_size  }
0x12: {  	s5 =	simm.s32 $_size__tile_overlayer_lowered;
	s6 =	simm.s32 $_tile_overlayer_lowered  }
0x13: {  	s23 =	simm.s32 $0x1BFF;
	s22 =	sshll.u32 s6, $0x1;
	s3 =	sadd.s32 s4, s20  }
0x14: {  	s7 =	simm.s32 $0x0;
	s21 =	sshll.u32 s5, $0x1;
	s5 =	sadd.s32 s22, s3  }
0x15: {  	[timem:s7], [sflag:s23] =	dma.local [hbm:s5], s21  }
0x16: {  	_ =	swait.ge [sflag:s23], s21  }
0x17: {  	s4 =	ssub.s32 $0x0, s21;
	[sflag:s23] =	ssyncset.done $0x0  }
0x18: {  	[sflag:s23] =	ssyncadd.s32 s4;
	_ =	sdelay $0x1  }
0x19: {  	s24 =	simm.s32 $0x1B8B  }
0x1a: {  	_ =	swait.ge [sflag:s24], $0x1  }
0x1b: {  	[sflag:s24] =	ssyncset.done $0x0  }
0x1c: {  	s26 =	simm.s32 $0x1B8E;
	s25 =	sld [smem:$0x3FFE];
	[sflag:s24] =	ssyncadd.s32 $0xFFFFFFFF  }
0x1d: {  	s27 =	simm.s32 $execute0_lowered;
	[smem:$0x3FD2] =	sst s26  }
0x1e: {  	s5 =	sshll.u32 s27, $0x1;
	_ =	strace $0x80000046;
	[dreg:$0x1] =	wrdreg $0xFFFFFFFF  }
0x1f: {  	s28 =	simm.s32 $_size_execute0_lowered;
	s3 =	sadd.s32 s3, s5;
	[dreg:$0x0] =	wrdreg $0x0  }
0x20: {  	s5 =	sshll.u32 s28, $0x1;
	[dreg:$0x2] =	wrdreg s3  }
0x21: {  	[dreg:$0x3] =	wrdreg s5  }
0x22: {  	[dreg:$0x4] =	wrdreg $0xC0  }
0x23: {  	_ =	task [dreg:s7], $0x5FFFF  }
0x24: {  	[dreg:$0x1] =	wrdreg $0xFFFFFFFF  }
0x25: {  	[dreg:$0x0] =	wrdreg $0x60  }
0x26: {  	[dreg:$0x2] =	wrdreg s2  }
0x27: {  	[dreg:$0x3] =	wrdreg s25  }
0x28: {  	[dreg:$0x4] =	wrdreg $0x9  }
0x29: {  	_ =	task.clear_ibuf [dreg:s7], $0x5FFFF;
	_ =	strace $0x90000046  }
0x2a: {  	s29 =	simm.s32 $0x9;
	_ =	strace $0x80000048  }
0x2b: {  	_ =	swait.ge [sflag:s29], $0x1  }
0x2c: {  	[sflag:s29] =	ssyncadd.s32 $0xFFFFFFFF  }
0x2d: {  	_ =	strace $0x90000048  }
0x2e: {  	_ =	sfence  }
0x2f: {  	s30 =	sld [smem:$0x0];
	_ =	sdelay $0x2  }
0x30: {  	s31 =	sshll.u32 s1, $0xD;
	s1 =	sshrl.u32 s1, $0x2  }
0x31: {  	s3 =	sand.u32 $0x4000, s31;
	s1 =	sadd.s32 s1, s30  }
0x32: {  	s0 =	sor.u32 s3, s0;
	s1 =	sshll.u32 s1, $0x11  }
0x33: {  	s0 =	sor.u32 s1, s0  }
0x34: {  	s0 =	sadd.s32 $0x8F2B, s0  }
0x35: {  	[sflag:s0] =	ssyncadd.remote.s32 $0x1  }
0x36: {  	_ =	sfence.sel $0xFFFF  }
0x37: {  	[dreg:$0x0] =	wrdreg $0xFFFFFFFF;
	(pc) =	sbr.abs _section_cstart, $3  }
0x38: {  	[dreg:$0x1] =	wrdreg $0xFFFFFFFF  }
0x39: {  	_ =	task.clear_ibuf [dreg:s7], $0x2FFFF;
	_ =	strace $0x9FFFFFFF  }
0x3a: {  	(tm) =	ssettm $0x7FFFFFFF  }
0x3b: {  	_ =	shalt  }
tec
execute0_lowered:
.L_overlay_start_1:
0x0: {  	(tag) =	ssettag $0x1  }
0x1: {  	s0 =	srdreg.scid  }
0x2: {  	s1 =	sshll.u32 s0, $0x4  }
0x3: {  	s3 =	rddreg [dreg:$0x0];
	s0 =	stileid.u32;
	s1 =	sand.u32 $0x10, s1  }
0x4: {  	s6 =	rddreg [dreg:$0x1];
	s1 =	sor.u32 s0, s1  }
0x5: {  	s5 =	simm.s32 $0x1;
	s31 =	simm.s32 $0x2;
	s2 =	sshll.u32 s1, $0x7  }
0x6: {  	s15 =	simm.s32 $0x0;
	s8 =	simm.s32 $0xC0000;
	s4 =	ssub.s32 $0x18000, s2  }
0x7: {  	s9 =	simm.s32 $0x0;
	s14 =	simm.s32 $0x0;
	s30 =	sand.u32 $0xF80, s4  }
0x8: {  	s16 =	simm.s32 $0x0;
	s11 =	simm.s32 $0x0;
	p0 =	sne.s32 s30, $0x0  }
.Ltmp0:
0x9: {  	s7 =	sshrl.u32 s4, $0xC;
	s5 =	simm.s32 @!p0 $0x0;
	(pc) =	sbr.rel .LBB1_1-.Ltmp0, $4  }
0xa: {  	s12 =	simm.s32 $0x0;
	s1 =	rddreg [dreg:$0x2];
	s5 =	sadd.s32 s5, s7  }
0xb: {  	_ =	strace $0x80000047;
	s4 =	simm.s32 $0x1;
	s5 =	smul.u32 $0x5, s5  }
0xc: {  	s13 =	simm.s32 $0x0;
	s6 =	sadd.s32 $0xE00, s6;
	[sflag:s4] =	ssyncpa.u1 $0x0  }
0xd: {  	s10 =	smov.u32 s2;
	[sflag:s31] =	ssyncpa.u1 $0x0;
	s7 =	sadd.s32 $0x1, s5  }
.LBB1_4:
0xe: {  	_ =	sdelay $0x3  }
0xf: {  	[tilespmem:v0+s19+$0xFFFFFFA0 ss:$0x1] =	vst.idx.msk $0xffff, v7;
	s20 =	sshrl.u32 s16, $0x3  }
0x10: {  	v56 =	vld.idx.msk [tilespmem:v1+s18+$0x30 ss:$0x1], $0xffff;
	[tilespmem:v0+s19+$0xFFFFFFB0 ss:$0x1] =	vst.idx.msk $0xffff, v6;
	s21 =	sshll.u32 s15, $0x3;
	s24 =	sshll.u32 s16, $0x7;
	s20 =	smul.u32 $0xC0000, s20  }
0x11: {  	v57 =	vld.idx.msk [tilespmem:v1+s18+$0xFFFFFFC0 ss:$0x1], $0xffff;
	[tilespmem:v0+s19+$0xFFFFFFC0 ss:$0x1] =	vst.idx.msk $0xffff, v4;
	s25 =	sand.u32 $0x7F, s15;
	s21 =	sand.u32 $0xFFFFFC00, s21;
	s16 =	sand.u32 $0x380, s24  }
0x12: {  	v58 =	vld.idx.msk [tilespmem:v1+s18+$0xFFFFFFD0 ss:$0x1], $0xffff;
	[tilespmem:v0+s19+$0xFFFFFFD0 ss:$0x1] =	vst.idx.msk $0xffff, v2;
	s15 =	sor.u32 s16, s25;
	s20 =	sadd.s32 s20, s21  }
0x13: {  	v59 =	vld.idx.msk [tilespmem:v1+s18+$0xFFFFFFE0 ss:$0x1], $0xffff;
	[tilespmem:v0+s19+$0xFFFFFFE0 ss:$0x1] =	vst.idx.msk $0xffff, v3;
	s15 =	sor.u32 s20, s15  }
0x14: {  	v60 =	vld.idx.msk [tilespmem:v1+s18+$0xFFFFFFF0 ss:$0x1], $0xffff;
	[tilespmem:v0+s19+$0xFFFFFFF0 ss:$0x1] =	vst.idx.msk $0xffff, v5;
	s26 =	smulhi.u32 $0xAAAAAAAB, s15  }
0x15: {  	v61 =	vld.idx.msk [tilespmem:v1+s18+$0x0 ss:$0x1], $0xffff;
	s27 =	smulhi.u32 $0xAAAAAAAB, s20;
	[tilespmem:v0+s18+$0x0 ss:$0x1] =	vst.idx.msk $0xffff, v56  }
0x16: {  	v62 =	vld.idx.msk [tilespmem:v1+s18+$0x10 ss:$0x1], $0xffff;
	[tilespmem:v0+s18+$0xFFFFFF90 ss:$0x1] =	vst.idx.msk $0xffff, v57;
	s16 =	sshrl.u32 s26, $0x10  }
0x17: {  	v63 =	vld.idx.msk [tilespmem:v1+s18+$0x20 ss:$0x1], $0xffff;
	[tilespmem:v0+s18+$0xFFFFFFA0 ss:$0x1] =	vst.idx.msk $0xffff, v58;
	s19 =	sshrl.u32 s27, $0x10;
	s16 =	smul.u32 $0x18000, s16  }
0x18: {  	s14 =	smul.u32 $0x18000, s14;
	[tilespmem:v0+s18+$0xFFFFFFB0 ss:$0x1] =	vst.idx.msk $0xffff, v59;
	s19 =	sand.u32 $0x7, s19  }
0x19: {  	[tilespmem:v0+s18+$0xFFFFFFC0 ss:$0x1] =	vst.idx.msk $0xffff, v60;
	s28 =	smul.u32 $0x3000, s19;
	s15 =	ssub.s32 s15, s16  }
0x1a: {  	s14 =	sadd.s32 s6, s14;
	[tilespmem:v0+s18+$0xFFFFFFD0 ss:$0x1] =	vst.idx.msk $0xffff, v61;
	s29 =	sand.u32 $0x7, s15  }
0x1b: {  	[tilespmem:v0+s18+$0xFFFFFFE0 ss:$0x1] =	vst.idx.msk $0xffff, v62;
	s14 =	sadd.s32 s28, s14;
	s15 =	sshrl.u32 s15, $0x3;
	s30 =	sshll.u32 s29, $0x12  }
0x1c: {  	[tilespmem:v0+s18+$0xFFFFFFF0 ss:$0x1] =	vst.idx.msk $0xffff, v63;
	s14 =	sadd.s32 s15, s14;
	s31 =	sor.u32 $0x80, s30  }
0x1d: {  	[hbm4b:s14+s31] =	stream.strided.scatter [tilespmem:s17], [sflag:$0x2], $0x1000, s8, s31, $0x38;
	[tilespmem:$0x4000] =	vst v63  }
.LBB1_5:
0x1e: {  	s17 =	sadd.s32 $0x1000, s10  }
0x1f: {  	s14 =	sadd.s32 $0x20, s11;
	s18 =	smov.u32 s11;
	p1 =	sgt.s32 s17, $0x17FFF  }
0x20: {  	s18 =	smov.u32 @p1 s14  }
0x21: {  	s14 =	simm.s32 $0x1;
	p2 =	sgt.s32 s18, $0x1F  }
0x22: {  	s14 =	simm.s32 @!p2 $0x0  }
0x23: {  	s20 =	sadd.s32 s14, s12  }
0x24: {  	s17 =	smov.u32 @p1 s2;
	p1 =	sgt.s32 s20, $0x4  }
0x25: {  	p0 =	slt.u32 s13, $0x2;
	s20 =	simm.s32 @p1 $0x0;
	p1 =	sne.s32 s13, s7  }
.Ltmp1:
0x26: {  	s19 =	simm.s32 @!p0 $0x2;
	(pc) =	sbr.rel @!p1 .LBB1_6-.Ltmp1, $4  }
0x27: {  	s15 =	smov.u32 s10;
	s16 =	smov.u32 s12;
	_ =	swait.ge @!p0 [sflag:s19], $0x1000  }
0x28: {  	s9 =	sadd.s32 $0x1000, s9;
	[sflag:s19] =	ssyncset.done @!p0 $0x0;
	s10 =	smov.u32 s17  }
0x29: {  	s18 =	simm.s32 @p2 $0x0;
	[sflag:s19] =	ssyncadd.s32 @!p0 $0xFFFFF000;
	s14 =	smov.u32 s11  }
0x2a: {  	s11 =	smov.u32 s18;
	s13 =	sadd.s32 $0x1, s13;
	s12 =	smov.u32 s20  }
.LBB1_1:
0x2b: {  	p0 =	sge.u32 s13, s5  }
0x2c: {  	s17 =	sshrl.u32 @!p0 s11, $0x3  }
0x2d: {  	s18 =	sshll.u32 @!p0 s10, $0x3;
	s19 =	sshll.u32 @!p0 s11, $0x7;
	s17 =	smul.u32 @!p0 $0xC0000, s17  }
0x2e: {  	s20 =	sand.u32 @!p0 $0x7F, s10;
	s18 =	sand.u32 @!p0 $0xFFFFFC00, s18;
	s19 =	sand.u32 @!p0 $0x380, s19  }
0x2f: {  	s17 =	sadd.s32 @!p0 s17, s18;
	s18 =	sor.u32 @!p0 s20, s19  }
0x30: {  	s18 =	sor.u32 @!p0 s17, s18  }
0x31: {  	s19 =	smulhi.u32 @!p0 $0xAAAAAAAB, s18  }
0x32: {  	s17 =	smulhi.u32 @!p0 $0xAAAAAAAB, s17  }
0x33: {  	s19 =	sshrl.u32 @!p0 s19, $0x10  }
0x34: {  	s31 =	sadd.s32 $0xFFFFFFFF, s13;
	s17 =	sshrl.u32 @!p0 s17, $0x10;
	s19 =	smul.u32 @!p0 $0x18000, s19  }
0x35: {  	s21 =	smul.u32 @!p0 $0x60000, s12;
	s20 =	sxor.u32 @!p0 $0xFFFFFFFF, s13;
	s17 =	sand.u32 @!p0 $0x1F, s17  }
0x36: {  	s20 =	sshll.u32 @!p0 s20, $0xC;
	s17 =	smul.u32 @!p0 $0x3000, s17;
	s18 =	ssub.s32 @!p0 s18, s19  }
0x37: {  	s19 =	sand.u32 @!p0 $0x1000, s20;
	s20 =	sadd.s32 @!p0 s3, s21;
	s21 =	sand.u32 @!p0 $0x7, s18  }
0x38: {  	s18 =	sshrl.u32 @!p0 s18, $0x3;
	s17 =	sadd.s32 @!p0 s17, s20;
	s20 =	sshll.u32 @!p0 s21, $0x12  }
0x39: {  	s17 =	sadd.s32 @!p0 s18, s17;
	s18 =	sor.u32 @!p0 $0x400, s20;
	s20 =	simm.s32 @!p0 $0xC0000  }
0x3a: {  	[tilespmem:s19], [sflag:$0x1] =	stream.strided.gather @!p0 [hbm4b:s17+s18], $0x1000, s20, s18, $0x38;
	[tilespmem:$0x4000] =	vst v63  }
0x3b: {  	p0 =	sge.u32 s31, s5  }
.Ltmp2:
0x3c: {  	_ = 	snop;
	(pc) =	sbr.rel @p0 .LBB1_5-.Ltmp2, $1  }
0x3d: {  	_ =	sdelay $0x3  }
0x3e: {  	s17 =	sand.u32 $0x1000, s9  }
0x3f: {  	s18 =	sor.u32 $0x40, s17  }
0x40: {  	v1 =	vmov s18;
	_ =	sdelay $0x1  }
0x41: {  	_ =	swait.ge [sflag:s4], $0x1000  }
0x42: {  	[sflag:s4] =	ssyncset.done $0x0  }
0x43: {  	s19 =	simm.s32 $0x0;
	[sflag:s4] =	ssyncadd.s32 $0xFFFFF000  }
0x44: {  	s17 =	sor.u32 $0x2070, s17;
	v5 =	vld.idx.msk [tilespmem:v1+s19+$0x30 ss:$0x1], $0xffff  }
0x45: {  	v0 =	vmov s17;
	v8 =	vld.idx.msk [tilespmem:v1+s19+$0xFFFFFFC0 ss:$0x1], $0xffff  }
0x46: {  	v7 =	vld.idx.msk [tilespmem:v1+s19+$0xFFFFFFD0 ss:$0x1], $0xffff  }
0x47: {  	v6 =	vld.idx.msk [tilespmem:v1+s19+$0xFFFFFFE0 ss:$0x1], $0xffff  }
0x48: {  	v4 =	vld.idx.msk [tilespmem:v1+s19+$0xFFFFFFF0 ss:$0x1], $0xffff  }
0x49: {  	s31 =	sshll.u32 s13, $0xC;
	v2 =	vld.idx.msk [tilespmem:v1+s19+$0x0 ss:$0x1], $0xffff  }
0x4a: {  	s17 =	sand.u32 $0x1000, s31;
	v3 =	vld.idx.msk [tilespmem:v1+s19+$0x10 ss:$0x1], $0xffff;
	[tilespmem:v0+s19+$0x0 ss:$0x1] =	vst.idx.msk $0xffff, v5  }
0x4b: {  	s20 =	simm.s32 $0x400;
	s18 =	simm.s32 $0x80;
	s17 =	sor.u32 $0x2000, s17;
	[tilespmem:v0+s19+$0xFFFFFF90 ss:$0x1] =	vst.idx.msk $0xffff, v8;
	v5 =	vld.idx.msk [tilespmem:v1+s19+$0x20 ss:$0x1], $0xffff  }
.LBB1_3:
0x4c: {  	p0 =	sne.s32 s20, $0x3E00;
	v8 =	vld.idx.msk [tilespmem:v1+s18+$0x30 ss:$0x1], $0xffff;
	[tilespmem:v0+s19+$0xFFFFFFA0 ss:$0x1] =	vst.idx.msk $0xffff, v7  }
0x4d: {  	v9 =	vld.idx.msk [tilespmem:v1+s18+$0xFFFFFFC0 ss:$0x1], $0xffff;
	[tilespmem:v0+s19+$0xFFFFFFB0 ss:$0x1] =	vst.idx.msk $0xffff, v6  }
0x4e: {  	v7 =	vld.idx.msk [tilespmem:v1+s18+$0xFFFFFFD0 ss:$0x1], $0xffff;
	[tilespmem:v0+s19+$0xFFFFFFC0 ss:$0x1] =	vst.idx.msk $0xffff, v4  }
.Ltmp3:
0x4f: {  	v6 =	vld.idx.msk [tilespmem:v1+s18+$0xFFFFFFE0 ss:$0x1], $0xffff;
	[tilespmem:v0+s19+$0xFFFFFFD0 ss:$0x1] =	vst.idx.msk $0xffff, v2;
	(pc) =	sbr.rel @p0 .LBB1_3-.Ltmp3, $4  }
0x50: {  	v4 =	vld.idx.msk [tilespmem:v1+s18+$0xFFFFFFF0 ss:$0x1], $0xffff;
	[tilespmem:v0+s19+$0xFFFFFFE0 ss:$0x1] =	vst.idx.msk $0xffff, v3  }
0x51: {  	v2 =	vld.idx.msk [tilespmem:v1+s18+$0x0 ss:$0x1], $0xffff;
	[tilespmem:v0+s19+$0xFFFFFFF0 ss:$0x1] =	vst.idx.msk $0xffff, v5;
	s19 =	smov.u32 s18  }
0x52: {  	v3 =	vld.idx.msk [tilespmem:v1+s19+$0x10 ss:$0x1], $0xffff;
	[tilespmem:v0+s19+$0x0 ss:$0x1] =	vst.idx.msk $0xffff, v8  }
0x53: {  	s18 =	sshra.s32 s20, $0x2;
	s20 =	sadd.s32 $0x200, s20;
	[tilespmem:v0+s19+$0xFFFFFF90 ss:$0x1] =	vst.idx.msk $0xffff, v9;
	v5 =	vld.idx.msk [tilespmem:v1+s19+$0x20 ss:$0x1], $0xffff  }
.Ltmp4:
0x54: {  	_ = 	snop;
	(pc) =	sbr.rel .LBB1_4-.Ltmp4, $1  }
0x55: {  	_ =	sdelay $0x3  }
.LBB1_6:
0x56: {  	_ =	sfence.sel $0x180000  }
0x57: {  	s2 =	simm.s32 $0x1;
	[bflag:$0x0] =	sbarrier.arrive $0xFFFF  }
0x58: {  	s31 =	simm.s32 $0x2;
	[sflag:s2] =	ssyncpa.u1 $0x1  }
0x59: {  	[sflag:s31] =	ssyncpa.u1 $0x1  }
0x5a: {  	p0 =	sne.s32 s0, $0x0;
	_ =	strace $0x90000047  }
0x5b: {  	s0 =	sadd.s32 @!p0 $0x100000, s1;
	[bflag:$0x2] =	sbarrier.arrive $0xFFFF  }
0x5c: {  	[sflag:s0] =	ssyncadd.tile.s32 @!p0 $0x1;
	_ =	shalt  }
.Lfunc_end1:
_tile_overlayer_lowered:
.L_overlay_start_2:
0x5d: {  	(tag) =	ssettag $0x2  }
0x5e: {  	s0 =	rddreg [dreg:$0x0];
	s2 =	stileid.u32  }
0x5f: {  	s1 =	rddreg [dreg:$0x1];
	p0 =	sne.s32 s2, $0x0  }
0x60: {  	s3 =	rddreg [dreg:$0x2];
	[bflag:$0x3] =	sbarrier.arrive $0xFFFF;
	s2 =	simm.s32 @!p0 $0x1C01  }
0x61: {  	[timem:s3], [sflag:s2] =	dma.local @!p0 [hbm:s0], s1  }
0x62: {  	s0 =	simm.s32 @!p0 $0x1  }
0x63: {  	_ =	swait.ge @!p0 [sflag:s0], s1  }
0x64: {  	s1 =	ssub.s32 @!p0 $0x0, s1;
	[sflag:s0] =	ssyncset.done @!p0 $0x0  }
0x65: {  	[sflag:s0] =	ssyncadd.s32 @!p0 s1  }
0x66: {  	[bflag:$0x3] =	sbarrier.arrive $0xFFFF  }
0x67: {  	_ =	shalt  }

</sc_bundles>
